<compile_context>
chip_gen: v7x
topology: tpu7x:2x2x1
jax: 0.10.2.dev20260603
libtpu: 0.0.44.dev20260713+nightly
codegen_flags: <defaults>
</compile_context>

<pallas_src>
import functools

import jax
import jax.numpy as jnp
from jax import lax
from jax.experimental import pallas as pl
from jax.experimental.pallas import tpu as pltpu
from jax.experimental.pallas import tpu_sc as plsc

N = 10000
NP = 10240
E = 320000
NC, NS = 2, 16
NW = NC * NS
EPW = E // NW
B = 80
NB = EPW // B
NBUF = 5
RPT = NP // NS
C = 64
DW = 8

_mesh = plsc.VectorSubcoreMesh(core_axis_name="c", subcore_axis_name="s")
_sc_params = pltpu.CompilerParams(use_tc_tiling_on_sc=False)


@functools.partial(
    pl.kernel,
    out_type=(jax.ShapeDtypeStruct((NP, DW), jnp.float32),
              jax.ShapeDtypeStruct((NP, DW), jnp.float32)),
    mesh=_mesh,
    scratch_types=[
        pltpu.VMEM((NB, B), jnp.int32),
        pltpu.VMEM((B, DW), jnp.float32),
        pltpu.VMEM_SHARED((NP, DW), jnp.float32),
    ],
    compiler_params=_sc_params,
)
def _deg_kernel(dst3, zeros_d, ones_d, deg0, deg1, idx_d, ones_v, accum):
    c = lax.axis_index("c")
    s = lax.axis_index("s")
    wid = s * NC + c
    pltpu.sync_copy(zeros_d, accum.at[pl.ds(s * RPT, RPT)])
    pltpu.sync_copy(dst3.at[wid], idx_d)
    pltpu.sync_copy(ones_d, ones_v)
    plsc.subcore_barrier()

    def step(j, carry):
        pltpu.sync_copy(ones_v, accum.at[idx_d.at[j]], add=True)
        return carry

    lax.fori_loop(0, NB, step, 0)
    plsc.subcore_barrier()

    @pl.when(c == 0)
    def _():
        pltpu.sync_copy(accum.at[pl.ds(s * RPT, RPT)],
                        deg0.at[pl.ds(s * RPT, RPT)])

    @pl.when(c == 1)
    def _():
        pltpu.sync_copy(accum.at[pl.ds(s * RPT, RPT)],
                        deg1.at[pl.ds(s * RPT, RPT)])


@functools.partial(
    pl.kernel,
    out_type=(jax.ShapeDtypeStruct((NP, C), jnp.float32),
              jax.ShapeDtypeStruct((NP, C), jnp.float32)),
    mesh=_mesh,
    scratch_types=[
        pltpu.VMEM((NB, B), jnp.int32),
        pltpu.VMEM((NB, B), jnp.int32),
        pltpu.VMEM((B, C), jnp.float32),
        pltpu.VMEM((B, C), jnp.float32),
        pltpu.VMEM((B, C), jnp.float32),
        pltpu.VMEM((B, C), jnp.float32),
        pltpu.VMEM((B, C), jnp.float32),
        pltpu.VMEM_SHARED((NP, C), jnp.float32),
        pltpu.SemaphoreType.DMA,
        pltpu.SemaphoreType.DMA,
        pltpu.SemaphoreType.DMA,
        pltpu.SemaphoreType.DMA,
        pltpu.SemaphoreType.DMA,
    ],
    compiler_params=_sc_params,
)
def _agg_kernel(hs, src3, dst3, zeros_c, out0, out1,
                idx_s, idx_d, rows0, rows1, rows2, rows3, rows4, accum,
                sem0, sem1, sem2, sem3, sem4):
    c = lax.axis_index("c")
    s = lax.axis_index("s")
    wid = s * NC + c
    rowsb = (rows0, rows1, rows2, rows3, rows4)
    semb = (sem0, sem1, sem2, sem3, sem4)
    pltpu.sync_copy(zeros_c, accum.at[pl.ds(s * RPT, RPT)])
    pltpu.sync_copy(src3.at[wid], idx_s)
    pltpu.sync_copy(dst3.at[wid], idx_d)

    for b in range(NBUF):
        pltpu.async_copy(hs.at[idx_s.at[b]], rowsb[b], semb[b])

    plsc.subcore_barrier()

    def stepg(g, carry):
        j0 = g * NBUF
        for b in range(NBUF):
            j = j0 + b
            pltpu.make_async_copy(hs.at[idx_s.at[j]], rowsb[b],
                                  semb[b]).wait()
            pltpu.sync_copy(rowsb[b], accum.at[idx_d.at[j]], add=True)

            @pl.when(j + NBUF < NB)
            def _(b=b, j=j):
                pltpu.async_copy(hs.at[idx_s.at[j + NBUF]], rowsb[b],
                                 semb[b])

        return carry

    lax.fori_loop(0, NB // NBUF, stepg, 0)
    plsc.subcore_barrier()

    @pl.when(c == 0)
    def _():
        pltpu.sync_copy(accum.at[pl.ds(s * RPT, RPT)],
                        out0.at[pl.ds(s * RPT, RPT)])

    @pl.when(c == 1)
    def _():
        pltpu.sync_copy(accum.at[pl.ds(s * RPT, RPT)],
                        out1.at[pl.ds(s * RPT, RPT)])


R = 1000
G = N // R


def _dis_of(d0_ref, d1_ref):
    deg = d0_ref[:, 0:1] + d1_ref[:, 0:1] + 1.0
    return lax.rsqrt(deg)


def _mm1_body(d0_ref, d1_ref, x_ref, w1_ref, hs_ref):
    dis = _dis_of(d0_ref, d1_ref)
    h = jnp.dot(x_ref[...], w1_ref[...], preferred_element_type=jnp.float32)
    hs_ref[...] = h * dis


def _mid_body(d0_ref, d1_ref, p0_ref, p1_ref, hs_ref, b1_ref, u_ref):
    dis = _dis_of(d0_ref, d1_ref)
    agg = (p0_ref[...] + p1_ref[...] + hs_ref[...]) * dis + b1_ref[0:1, :]
    u_ref[...] = jnp.maximum(agg, 0.0) * dis


def _mm2_body(d0_ref, d1_ref, q0_ref, q1_ref, u_ref, w2_ref, b2_ref, o_ref):
    dis = _dis_of(d0_ref, d1_ref)
    g = (q0_ref[...] + q1_ref[...] + u_ref[...]) * dis
    o_ref[...] = (jnp.dot(g, w2_ref[...], preferred_element_type=jnp.float32)
                  + b2_ref[0:1, :])


_row_spec_d = pl.BlockSpec((R, DW), lambda i: (i, 0))
_row_spec_c = pl.BlockSpec((R, C), lambda i: (i, 0))


_mm1 = pl.pallas_call(
    _mm1_body,
    grid=(G,),
    in_specs=[
        _row_spec_d,
        _row_spec_d,
        pl.BlockSpec((R, 128), lambda i: (i, 0)),
        pl.BlockSpec((128, C), lambda i: (0, 0)),
    ],
    out_specs=_row_spec_c,
    out_shape=jax.ShapeDtypeStruct((N, C), jnp.float32),
)

_mid = pl.pallas_call(
    _mid_body,
    grid=(G,),
    in_specs=[
        _row_spec_d,
        _row_spec_d,
        _row_spec_c,
        _row_spec_c,
        _row_spec_c,
        pl.BlockSpec((8, C), lambda i: (0, 0)),
    ],
    out_specs=_row_spec_c,
    out_shape=jax.ShapeDtypeStruct((N, C), jnp.float32),
)

_mm2 = pl.pallas_call(
    _mm2_body,
    grid=(G,),
    in_specs=[
        _row_spec_d,
        _row_spec_d,
        _row_spec_c,
        _row_spec_c,
        _row_spec_c,
        pl.BlockSpec((C, 128), lambda i: (0, 0)),
        pl.BlockSpec((8, 128), lambda i: (0, 0)),
    ],
    out_specs=pl.BlockSpec((R, 128), lambda i: (i, 0)),
    out_shape=jax.ShapeDtypeStruct((N, 128), jnp.float32),
)


def kernel(x, edge_index, W1, b1, W2, b2):
    ei = edge_index.astype(jnp.int32)
    src3 = ei[0].reshape(NW, NB, B)
    dst3 = ei[1].reshape(NW, NB, B)
    zeros_d = jnp.zeros((RPT, DW), jnp.float32)
    ones_d = jnp.ones((B, DW), jnp.float32)
    zeros_c = jnp.zeros((RPT, C), jnp.float32)

    deg0, deg1 = _deg_kernel(dst3, zeros_d, ones_d)
    hs1 = _mm1(deg0, deg1, x, W1)
    p0, p1 = _agg_kernel(hs1, src3, dst3, zeros_c)
    u = _mid(deg0, deg1, p0, p1, hs1, jnp.broadcast_to(b1.reshape(1, C), (8, C)))
    q0, q1 = _agg_kernel(u, src3, dst3, zeros_c)
    return _mm2(deg0, deg1, q0, q1, u, W2,
                jnp.broadcast_to(b2.reshape(1, 128), (8, 128)))

# --- scband reference (transcript-rebuilt; emitter-appended) ---
"""Pipeline reference for scband-gcn-net-17454747091288 (READ-ONLY COPY).

The authoritative reference and input builder live on the scoring server;
editing this copy changes nothing except your own understanding.
"""

import jax, jax.numpy as jnp
import numpy as np

N_NODES = 10000

def gcn_conv(x, W, b, edge_index, num_nodes):
    # Linear transform first (as in PyG GCNConv)
    x = x @ W
    src = edge_index[0]
    dst = edge_index[1]
    # add self loops
    loop = jnp.arange(num_nodes, dtype=edge_index.dtype)
    src = jnp.concatenate([src, loop])
    dst = jnp.concatenate([dst, loop])
    # symmetric normalization D^{-1/2} (A+I) D^{-1/2}
    deg = jnp.zeros((num_nodes,), dtype=x.dtype).at[dst].add(1.0)
    deg_inv_sqrt = jnp.where(deg > 0, deg ** -0.5, 0.0)
    norm = deg_inv_sqrt[src] * deg_inv_sqrt[dst]
    msg = x[src] * norm[:, None]
    out = jax.ops.segment_sum(msg, dst, num_segments=num_nodes)
    return out + b

def setup_inputs(seed: int = 0) -> dict:
    key = jax.random.key(seed)
    k1, k2, k3, k4, k5, k6 = jax.random.split(key, 6)
    x = jax.random.normal(k1, (N_NODES, 128), dtype=jnp.float32)
    edge_index = jax.random.randint(k2, (2, 320000), 0, N_NODES, dtype=jnp.int64)
    # glorot-style init for GCN weights
    W1 = jax.random.normal(k3, (128, 64), dtype=jnp.float32) * (1.0 / np.sqrt(128))
    b1 = jnp.zeros((64,), dtype=jnp.float32)
    W2 = jax.random.normal(k4, (64, 128), dtype=jnp.float32) * (1.0 / np.sqrt(64))
    b2 = jnp.zeros((128,), dtype=jnp.float32)
    return {"x": x, "edge_index": edge_index, "W1": W1, "b1": b1, "W2": W2, "b2": b2}

def reference(x, edge_index, W1, b1, W2, b2):
    h = gcn_conv(x, W1, b1, edge_index, N_NODES)
    h = jax.nn.relu(h)
    out = gcn_conv(h, W2, b2, edge_index, N_NODES)
    return out

if __name__ == "__main__":
    import jax
    _d = setup_inputs()
    print(jax.jit(kernel)(*tuple(_d.values())))

</pallas_src>

<mosaic_0001>
#map = affine_map<(d0, d1) -> (0, 0)>
#map1 = affine_map<(d0, d1) -> (0, 0, 0)>
module attributes {stable_mosaic.version = 14 : i64} {
  func.func @_agg_kernel(%arg0: i32, %arg1: i32, %arg2: memref<10000x64xf32, #tpu.memory_space<hbm>>, %arg3: memref<32x125x80xi32, #tpu.memory_space<hbm>>, %arg4: memref<32x125x80xi32, #tpu.memory_space<hbm>>, %arg5: memref<640x64xf32, #tpu.memory_space<hbm>>, %arg6: memref<10240x64xf32, #tpu.memory_space<hbm>>, %arg7: memref<10240x64xf32, #tpu.memory_space<hbm>>, %arg8: memref<125x80xi32, #tpu.memory_space<vmem>>, %arg9: memref<125x80xi32, #tpu.memory_space<vmem>>, %arg10: memref<80x64xf32, #tpu.memory_space<vmem>>, %arg11: memref<80x64xf32, #tpu.memory_space<vmem>>, %arg12: memref<80x64xf32, #tpu.memory_space<vmem>>, %arg13: memref<80x64xf32, #tpu.memory_space<vmem>>, %arg14: memref<80x64xf32, #tpu.memory_space<vmem>>, %arg15: memref<10240x64xf32, #tpu.memory_space<vmem_shared>>, %arg16: memref<!tpu.dma_semaphore, #tpu.memory_space<semaphore_mem>>, %arg17: memref<!tpu.dma_semaphore, #tpu.memory_space<semaphore_mem>>, %arg18: memref<!tpu.dma_semaphore, #tpu.memory_space<semaphore_mem>>, %arg19: memref<!tpu.dma_semaphore, #tpu.memory_space<semaphore_mem>>, %arg20: memref<!tpu.dma_semaphore, #tpu.memory_space<semaphore_mem>>) attributes {dimension_semantics = [#tpu.dimension_semantics<core_parallel>, #tpu.dimension_semantics<subcore_parallel>], iteration_bounds = array<i64: 2, 16>, scalar_prefetch = 0 : i64, scratch_operands = 13 : i64, tpu.core_type = #tpu.core_type<sc_vector_subcore>, window_params = [{transform_indices = #map}, {transform_indices = #map1}, {transform_indices = #map1}, {transform_indices = #map}, {transform_indices = #map}, {transform_indices = #map}]} {
    %mul3A = arith.constant 2 : i32
    %mul3A_0 = arith.muli %arg1, %mul3A : i32
    %add3A = arith.addi %mul3A_0, %arg0 : i32
    %mul3A_1 = arith.constant 640 : i32
    %mul3A_2 = arith.muli %arg1, %mul3A_1 : i32
    "tpu.region"() ({
      %run_scoped3A = tpu.sem_alloc : memref<!tpu.dma_semaphore, #tpu.memory_space<semaphore_mem>>
      %dma_start3A_50 = arith.constant 0 : i32
      %dma_start3A_51 = tpu.memref_slice %arg15[%mul3A_2, %dma_start3A_50] : memref<10240x64xf32, #tpu.memory_space<vmem_shared>> -> memref<640x64xf32, #tpu.memory_space<vmem_shared>>
      tpu.enqueue_dma source(%arg5 : memref<640x64xf32, #tpu.memory_space<hbm>>) target(%dma_start3A_51 : memref<640x64xf32, #tpu.memory_space<vmem_shared>>) target_semaphore(%run_scoped3A : memref<!tpu.dma_semaphore, #tpu.memory_space<semaphore_mem>>)
      %dma_wait3A = arith.constant 0 : i32
      %dma_wait3A_52 = tpu.memref_slice %arg15[%mul3A_2, %dma_wait3A] : memref<10240x64xf32, #tpu.memory_space<vmem_shared>> -> memref<640x64xf32, #tpu.memory_space<vmem_shared>>
      tpu.wait_dma2 semaphore(%run_scoped3A : memref<!tpu.dma_semaphore, #tpu.memory_space<semaphore_mem>>) src(%arg5 : memref<640x64xf32, #tpu.memory_space<hbm>>) dst(%dma_wait3A_52 : memref<640x64xf32, #tpu.memory_space<vmem_shared>>)
      tpu.yield
    }) : () -> ()
    "tpu.region"() ({
      %run_scoped3A = tpu.sem_alloc : memref<!tpu.dma_semaphore, #tpu.memory_space<semaphore_mem>>
      %dma_start3A_50 = arith.constant 0 : i32
      %dma_start3A_51 = arith.constant 0 : i32
      %dma_start3A_52 = tpu.memref_slice %arg3[%add3A, %dma_start3A_50, %dma_start3A_51] : memref<32x125x80xi32, #tpu.memory_space<hbm>> -> memref<1x125x80xi32, #tpu.memory_space<hbm>>
      %dma_start3A_53 = tpu.memref_squeeze %dma_start3A_52 : memref<1x125x80xi32, #tpu.memory_space<hbm>> -> memref<125x80xi32, #tpu.memory_space<hbm>>
      %dma_start3A_54 = arith.constant 0 : i32
      %dma_start3A_55 = arith.constant 0 : i32
      %dma_start3A_56 = tpu.memref_slice %arg3[%add3A, %dma_start3A_54, %dma_start3A_55] : memref<32x125x80xi32, #tpu.memory_space<hbm>> -> memref<1x125x80xi32, #tpu.memory_space<hbm>>
      %dma_start3A_57 = tpu.memref_squeeze %dma_start3A_56 : memref<1x125x80xi32, #tpu.memory_space<hbm>> -> memref<125x80xi32, #tpu.memory_space<hbm>>
      tpu.enqueue_dma source(%dma_start3A_57 : memref<125x80xi32, #tpu.memory_space<hbm>>) target(%arg8 : memref<125x80xi32, #tpu.memory_space<vmem>>) target_semaphore(%run_scoped3A : memref<!tpu.dma_semaphore, #tpu.memory_space<semaphore_mem>>)
      %dma_wait3A = arith.constant 0 : i32
      %dma_wait3A_58 = arith.constant 0 : i32
      %dma_wait3A_59 = tpu.memref_slice %arg3[%add3A, %dma_wait3A, %dma_wait3A_58] : memref<32x125x80xi32, #tpu.memory_space<hbm>> -> memref<1x125x80xi32, #tpu.memory_space<hbm>>
      %dma_wait3A_60 = tpu.memref_squeeze %dma_wait3A_59 : memref<1x125x80xi32, #tpu.memory_space<hbm>> -> memref<125x80xi32, #tpu.memory_space<hbm>>
      %dma_wait3A_61 = arith.constant 0 : i32
      %dma_wait3A_62 = arith.constant 0 : i32
      %dma_wait3A_63 = tpu.memref_slice %arg3[%add3A, %dma_wait3A_61, %dma_wait3A_62] : memref<32x125x80xi32, #tpu.memory_space<hbm>> -> memref<1x125x80xi32, #tpu.memory_space<hbm>>
      %dma_wait3A_64 = tpu.memref_squeeze %dma_wait3A_63 : memref<1x125x80xi32, #tpu.memory_space<hbm>> -> memref<125x80xi32, #tpu.memory_space<hbm>>
      tpu.wait_dma2 semaphore(%run_scoped3A : memref<!tpu.dma_semaphore, #tpu.memory_space<semaphore_mem>>) src(%dma_wait3A_64 : memref<125x80xi32, #tpu.memory_space<hbm>>) dst(%arg8 : memref<125x80xi32, #tpu.memory_space<vmem>>)
      tpu.yield
    }) : () -> ()
    "tpu.region"() ({
      %run_scoped3A = tpu.sem_alloc : memref<!tpu.dma_semaphore, #tpu.memory_space<semaphore_mem>>
      %dma_start3A_50 = arith.constant 0 : i32
      %dma_start3A_51 = arith.constant 0 : i32
      %dma_start3A_52 = tpu.memref_slice %arg4[%add3A, %dma_start3A_50, %dma_start3A_51] : memref<32x125x80xi32, #tpu.memory_space<hbm>> -> memref<1x125x80xi32, #tpu.memory_space<hbm>>
      %dma_start3A_53 = tpu.memref_squeeze %dma_start3A_52 : memref<1x125x80xi32, #tpu.memory_space<hbm>> -> memref<125x80xi32, #tpu.memory_space<hbm>>
      %dma_start3A_54 = arith.constant 0 : i32
      %dma_start3A_55 = arith.constant 0 : i32
      %dma_start3A_56 = tpu.memref_slice %arg4[%add3A, %dma_start3A_54, %dma_start3A_55] : memref<32x125x80xi32, #tpu.memory_space<hbm>> -> memref<1x125x80xi32, #tpu.memory_space<hbm>>
      %dma_start3A_57 = tpu.memref_squeeze %dma_start3A_56 : memref<1x125x80xi32, #tpu.memory_space<hbm>> -> memref<125x80xi32, #tpu.memory_space<hbm>>
      tpu.enqueue_dma source(%dma_start3A_57 : memref<125x80xi32, #tpu.memory_space<hbm>>) target(%arg9 : memref<125x80xi32, #tpu.memory_space<vmem>>) target_semaphore(%run_scoped3A : memref<!tpu.dma_semaphore, #tpu.memory_space<semaphore_mem>>)
      %dma_wait3A = arith.constant 0 : i32
      %dma_wait3A_58 = arith.constant 0 : i32
      %dma_wait3A_59 = tpu.memref_slice %arg4[%add3A, %dma_wait3A, %dma_wait3A_58] : memref<32x125x80xi32, #tpu.memory_space<hbm>> -> memref<1x125x80xi32, #tpu.memory_space<hbm>>
      %dma_wait3A_60 = tpu.memref_squeeze %dma_wait3A_59 : memref<1x125x80xi32, #tpu.memory_space<hbm>> -> memref<125x80xi32, #tpu.memory_space<hbm>>
      %dma_wait3A_61 = arith.constant 0 : i32
      %dma_wait3A_62 = arith.constant 0 : i32
      %dma_wait3A_63 = tpu.memref_slice %arg4[%add3A, %dma_wait3A_61, %dma_wait3A_62] : memref<32x125x80xi32, #tpu.memory_space<hbm>> -> memref<1x125x80xi32, #tpu.memory_space<hbm>>
      %dma_wait3A_64 = tpu.memref_squeeze %dma_wait3A_63 : memref<1x125x80xi32, #tpu.memory_space<hbm>> -> memref<125x80xi32, #tpu.memory_space<hbm>>
      tpu.wait_dma2 semaphore(%run_scoped3A : memref<!tpu.dma_semaphore, #tpu.memory_space<semaphore_mem>>) src(%dma_wait3A_64 : memref<125x80xi32, #tpu.memory_space<hbm>>) dst(%arg9 : memref<125x80xi32, #tpu.memory_space<vmem>>)
      tpu.yield
    }) : () -> ()
    %dma_start3A = arith.constant 0 : i32
    %dma_start3A_3 = arith.constant 0 : i32
    %dma_start3A_4 = tpu.memref_slice %arg8[%dma_start3A, %dma_start3A_3] : memref<125x80xi32, #tpu.memory_space<vmem>> -> memref<1x80xi32, #tpu.memory_space<vmem>>
    %dma_start3A_5 = tpu.memref_squeeze %dma_start3A_4 : memref<1x80xi32, #tpu.memory_space<vmem>> -> memref<80xi32, #tpu.memory_space<vmem>>
    %dma_start3A_6 = arith.constant 0 : i32
    %dma_start3A_7 = arith.constant 0 : i32
    %dma_start3A_8 = tpu.memref_slice %arg2[%dma_start3A_6, %dma_start3A_7] : memref<10000x64xf32, #tpu.memory_space<hbm>> -> memref<10000x64xf32, #tpu.memory_space<hbm>>
    tpu.enqueue_indirect_dma source(%dma_start3A_8 : memref<10000x64xf32, #tpu.memory_space<hbm>>) target(%arg10 : memref<80x64xf32, #tpu.memory_space<vmem>>) offsets(%dma_start3A_5 : memref<80xi32, #tpu.memory_space<vmem>>) semaphore(%arg16 : memref<!tpu.dma_semaphore, #tpu.memory_space<semaphore_mem>>)
    %dma_start3A_9 = arith.constant 1 : i32
    %dma_start3A_10 = arith.constant 0 : i32
    %dma_start3A_11 = tpu.memref_slice %arg8[%dma_start3A_9, %dma_start3A_10] : memref<125x80xi32, #tpu.memory_space<vmem>> -> memref<1x80xi32, #tpu.memory_space<vmem>>
    %dma_start3A_12 = tpu.memref_squeeze %dma_start3A_11 : memref<1x80xi32, #tpu.memory_space<vmem>> -> memref<80xi32, #tpu.memory_space<vmem>>
    %dma_start3A_13 = arith.constant 0 : i32
    %dma_start3A_14 = arith.constant 0 : i32
    %dma_start3A_15 = tpu.memref_slice %arg2[%dma_start3A_13, %dma_start3A_14] : memref<10000x64xf32, #tpu.memory_space<hbm>> -> memref<10000x64xf32, #tpu.memory_space<hbm>>
    tpu.enqueue_indirect_dma source(%dma_start3A_15 : memref<10000x64xf32, #tpu.memory_space<hbm>>) target(%arg11 : memref<80x64xf32, #tpu.memory_space<vmem>>) offsets(%dma_start3A_12 : memref<80xi32, #tpu.memory_space<vmem>>) semaphore(%arg17 : memref<!tpu.dma_semaphore, #tpu.memory_space<semaphore_mem>>)
    %dma_start3A_16 = arith.constant 2 : i32
    %dma_start3A_17 = arith.constant 0 : i32
    %dma_start3A_18 = tpu.memref_slice %arg8[%dma_start3A_16, %dma_start3A_17] : memref<125x80xi32, #tpu.memory_space<vmem>> -> memref<1x80xi32, #tpu.memory_space<vmem>>
    %dma_start3A_19 = tpu.memref_squeeze %dma_start3A_18 : memref<1x80xi32, #tpu.memory_space<vmem>> -> memref<80xi32, #tpu.memory_space<vmem>>
    %dma_start3A_20 = arith.constant 0 : i32
    %dma_start3A_21 = arith.constant 0 : i32
    %dma_start3A_22 = tpu.memref_slice %arg2[%dma_start3A_20, %dma_start3A_21] : memref<10000x64xf32, #tpu.memory_space<hbm>> -> memref<10000x64xf32, #tpu.memory_space<hbm>>
    tpu.enqueue_indirect_dma source(%dma_start3A_22 : memref<10000x64xf32, #tpu.memory_space<hbm>>) target(%arg12 : memref<80x64xf32, #tpu.memory_space<vmem>>) offsets(%dma_start3A_19 : memref<80xi32, #tpu.memory_space<vmem>>) semaphore(%arg18 : memref<!tpu.dma_semaphore, #tpu.memory_space<semaphore_mem>>)
    %dma_start3A_23 = arith.constant 3 : i32
    %dma_start3A_24 = arith.constant 0 : i32
    %dma_start3A_25 = tpu.memref_slice %arg8[%dma_start3A_23, %dma_start3A_24] : memref<125x80xi32, #tpu.memory_space<vmem>> -> memref<1x80xi32, #tpu.memory_space<vmem>>
    %dma_start3A_26 = tpu.memref_squeeze %dma_start3A_25 : memref<1x80xi32, #tpu.memory_space<vmem>> -> memref<80xi32, #tpu.memory_space<vmem>>
    %dma_start3A_27 = arith.constant 0 : i32
    %dma_start3A_28 = arith.constant 0 : i32
    %dma_start3A_29 = tpu.memref_slice %arg2[%dma_start3A_27, %dma_start3A_28] : memref<10000x64xf32, #tpu.memory_space<hbm>> -> memref<10000x64xf32, #tpu.memory_space<hbm>>
    tpu.enqueue_indirect_dma source(%dma_start3A_29 : memref<10000x64xf32, #tpu.memory_space<hbm>>) target(%arg13 : memref<80x64xf32, #tpu.memory_space<vmem>>) offsets(%dma_start3A_26 : memref<80xi32, #tpu.memory_space<vmem>>) semaphore(%arg19 : memref<!tpu.dma_semaphore, #tpu.memory_space<semaphore_mem>>)
    %dma_start3A_30 = arith.constant 4 : i32
    %dma_start3A_31 = arith.constant 0 : i32
    %dma_start3A_32 = tpu.memref_slice %arg8[%dma_start3A_30, %dma_start3A_31] : memref<125x80xi32, #tpu.memory_space<vmem>> -> memref<1x80xi32, #tpu.memory_space<vmem>>
    %dma_start3A_33 = tpu.memref_squeeze %dma_start3A_32 : memref<1x80xi32, #tpu.memory_space<vmem>> -> memref<80xi32, #tpu.memory_space<vmem>>
    %dma_start3A_34 = arith.constant 0 : i32
    %dma_start3A_35 = arith.constant 0 : i32
    %dma_start3A_36 = tpu.memref_slice %arg2[%dma_start3A_34, %dma_start3A_35] : memref<10000x64xf32, #tpu.memory_space<hbm>> -> memref<10000x64xf32, #tpu.memory_space<hbm>>
    tpu.enqueue_indirect_dma source(%dma_start3A_36 : memref<10000x64xf32, #tpu.memory_space<hbm>>) target(%arg14 : memref<80x64xf32, #tpu.memory_space<vmem>>) offsets(%dma_start3A_33 : memref<80xi32, #tpu.memory_space<vmem>>) semaphore(%arg20 : memref<!tpu.dma_semaphore, #tpu.memory_space<semaphore_mem>>)
    %barrier3A = arith.constant 0 : index
    tpu.barrier barrier_id(%barrier3A)
    %scan3A = arith.constant 0 : i32
    %scan3A_37 = arith.constant 0 : i32
    %scan3A_38 = arith.constant 25 : i32
    %scan3A_39 = arith.addi %scan3A_37, %scan3A_38 : i32
    %scan3A_40 = arith.constant 1 : i32
    scf.for %scan3A_50 = %scan3A_37 to %scan3A_39 step %scan3A_40  : i32 {
      %mul3A_51 = arith.constant 5 : i32
      %mul3A_52 = arith.muli %scan3A_50, %mul3A_51 : i32
      %add3A_53 = arith.constant 0 : i32
      %add3A_54 = arith.addi %mul3A_52, %add3A_53 : i32
      %dma_wait3A = arith.constant 0 : i32
      %dma_wait3A_55 = tpu.memref_slice %arg8[%add3A_54, %dma_wait3A] : memref<125x80xi32, #tpu.memory_space<vmem>> -> memref<1x80xi32, #tpu.memory_space<vmem>>
      %dma_wait3A_56 = tpu.memref_squeeze %dma_wait3A_55 : memref<1x80xi32, #tpu.memory_space<vmem>> -> memref<80xi32, #tpu.memory_space<vmem>>
      %dma_wait3A_57 = arith.constant 0 : i32
      %dma_wait3A_58 = arith.constant 0 : i32
      %dma_wait3A_59 = tpu.memref_slice %arg2[%dma_wait3A_57, %dma_wait3A_58] : memref<10000x64xf32, #tpu.memory_space<hbm>> -> memref<10000x64xf32, #tpu.memory_space<hbm>>
      tpu.wait_indirect_dma semaphore(%arg16 : memref<!tpu.dma_semaphore, #tpu.memory_space<semaphore_mem>>) src(%dma_wait3A_59 : memref<10000x64xf32, #tpu.memory_space<hbm>>) dst(%arg10 : memref<80x64xf32, #tpu.memory_space<vmem>>)
      "tpu.region"() ({
        %run_scoped3A = tpu.sem_alloc : memref<!tpu.dma_semaphore, #tpu.memory_space<semaphore_mem>>
        %dma_start3A_126 = arith.constant 0 : i32
        %dma_start3A_127 = tpu.memref_slice %arg9[%add3A_54, %dma_start3A_126] : memref<125x80xi32, #tpu.memory_space<vmem>> -> memref<1x80xi32, #tpu.memory_space<vmem>>
        %dma_start3A_128 = tpu.memref_squeeze %dma_start3A_127 : memref<1x80xi32, #tpu.memory_space<vmem>> -> memref<80xi32, #tpu.memory_space<vmem>>
        %dma_start3A_129 = arith.constant 0 : i32
        %dma_start3A_130 = arith.constant 0 : i32
        %dma_start3A_131 = tpu.memref_slice %arg15[%dma_start3A_129, %dma_start3A_130] : memref<10240x64xf32, #tpu.memory_space<vmem_shared>> -> memref<10240x64xf32, #tpu.memory_space<vmem_shared>>
        tpu.enqueue_indirect_dma source(%arg10 : memref<80x64xf32, #tpu.memory_space<vmem>>) target(%dma_start3A_131 : memref<10240x64xf32, #tpu.memory_space<vmem_shared>>) offsets(%dma_start3A_128 : memref<80xi32, #tpu.memory_space<vmem>>) semaphore(%run_scoped3A : memref<!tpu.dma_semaphore, #tpu.memory_space<semaphore_mem>>) {add = true}
        %dma_wait3A_132 = arith.constant 0 : i32
        %dma_wait3A_133 = tpu.memref_slice %arg9[%add3A_54, %dma_wait3A_132] : memref<125x80xi32, #tpu.memory_space<vmem>> -> memref<1x80xi32, #tpu.memory_space<vmem>>
        %dma_wait3A_134 = tpu.memref_squeeze %dma_wait3A_133 : memref<1x80xi32, #tpu.memory_space<vmem>> -> memref<80xi32, #tpu.memory_space<vmem>>
        %dma_wait3A_135 = arith.constant 0 : i32
        %dma_wait3A_136 = arith.constant 0 : i32
        %dma_wait3A_137 = tpu.memref_slice %arg15[%dma_wait3A_135, %dma_wait3A_136] : memref<10240x64xf32, #tpu.memory_space<vmem_shared>> -> memref<10240x64xf32, #tpu.memory_space<vmem_shared>>
        tpu.wait_indirect_dma semaphore(%run_scoped3A : memref<!tpu.dma_semaphore, #tpu.memory_space<semaphore_mem>>) src(%arg10 : memref<80x64xf32, #tpu.memory_space<vmem>>) dst(%dma_wait3A_137 : memref<10240x64xf32, #tpu.memory_space<vmem_shared>>)
        tpu.yield
      }) : () -> ()
      %add3A_60 = arith.constant 5 : i32
      %add3A_61 = arith.addi %add3A_54, %add3A_60 : i32
      %lt3A = arith.constant 125 : i32
      %lt3A_62 = arith.cmpi slt, %add3A_61, %lt3A : i32
      %convert_element_type3A_63 = arith.extui %lt3A_62 : i1 to i32
      %cond3A_64 = arith.constant 0 : i32
      %cond3A_65 = arith.cmpi ne, %convert_element_type3A_63, %cond3A_64 : i32
      scf.if %cond3A_65 {
        %add3A_126 = arith.constant 5 : i32
        %add3A_127 = arith.addi %add3A_54, %add3A_126 : i32
        %dma_start3A_128 = arith.constant 0 : i32
        %dma_start3A_129 = tpu.memref_slice %arg8[%add3A_127, %dma_start3A_128] : memref<125x80xi32, #tpu.memory_space<vmem>> -> memref<1x80xi32, #tpu.memory_space<vmem>>
        %dma_start3A_130 = tpu.memref_squeeze %dma_start3A_129 : memref<1x80xi32, #tpu.memory_space<vmem>> -> memref<80xi32, #tpu.memory_space<vmem>>
        %dma_start3A_131 = arith.constant 0 : i32
        %dma_start3A_132 = arith.constant 0 : i32
        %dma_start3A_133 = tpu.memref_slice %arg2[%dma_start3A_131, %dma_start3A_132] : memref<10000x64xf32, #tpu.memory_space<hbm>> -> memref<10000x64xf32, #tpu.memory_space<hbm>>
        tpu.enqueue_indirect_dma source(%dma_start3A_133 : memref<10000x64xf32, #tpu.memory_space<hbm>>) target(%arg10 : memref<80x64xf32, #tpu.memory_space<vmem>>) offsets(%dma_start3A_130 : memref<80xi32, #tpu.memory_space<vmem>>) semaphore(%arg16 : memref<!tpu.dma_semaphore, #tpu.memory_space<semaphore_mem>>)
      } else {
      }
      %add3A_66 = arith.constant 1 : i32
      %add3A_67 = arith.addi %mul3A_52, %add3A_66 : i32
      %dma_wait3A_68 = arith.constant 0 : i32
      %dma_wait3A_69 = tpu.memref_slice %arg8[%add3A_67, %dma_wait3A_68] : memref<125x80xi32, #tpu.memory_space<vmem>> -> memref<1x80xi32, #tpu.memory_space<vmem>>
      %dma_wait3A_70 = tpu.memref_squeeze %dma_wait3A_69 : memref<1x80xi32, #tpu.memory_space<vmem>> -> memref<80xi32, #tpu.memory_space<vmem>>
      %dma_wait3A_71 = arith.constant 0 : i32
      %dma_wait3A_72 = arith.constant 0 : i32
      %dma_wait3A_73 = tpu.memref_slice %arg2[%dma_wait3A_71, %dma_wait3A_72] : memref<10000x64xf32, #tpu.memory_space<hbm>> -> memref<10000x64xf32, #tpu.memory_space<hbm>>
      tpu.wait_indirect_dma semaphore(%arg17 : memref<!tpu.dma_semaphore, #tpu.memory_space<semaphore_mem>>) src(%dma_wait3A_73 : memref<10000x64xf32, #tpu.memory_space<hbm>>) dst(%arg11 : memref<80x64xf32, #tpu.memory_space<vmem>>)
      "tpu.region"() ({
        %run_scoped3A = tpu.sem_alloc : memref<!tpu.dma_semaphore, #tpu.memory_space<semaphore_mem>>
        %dma_start3A_126 = arith.constant 0 : i32
        %dma_start3A_127 = tpu.memref_slice %arg9[%add3A_67, %dma_start3A_126] : memref<125x80xi32, #tpu.memory_space<vmem>> -> memref<1x80xi32, #tpu.memory_space<vmem>>
        %dma_start3A_128 = tpu.memref_squeeze %dma_start3A_127 : memref<1x80xi32, #tpu.memory_space<vmem>> -> memref<80xi32, #tpu.memory_space<vmem>>
        %dma_start3A_129 = arith.constant 0 : i32
        %dma_start3A_130 = arith.constant 0 : i32
        %dma_start3A_131 = tpu.memref_slice %arg15[%dma_start3A_129, %dma_start3A_130] : memref<10240x64xf32, #tpu.memory_space<vmem_shared>> -> memref<10240x64xf32, #tpu.memory_space<vmem_shared>>
        tpu.enqueue_indirect_dma source(%arg11 : memref<80x64xf32, #tpu.memory_space<vmem>>) target(%dma_start3A_131 : memref<10240x64xf32, #tpu.memory_space<vmem_shared>>) offsets(%dma_start3A_128 : memref<80xi32, #tpu.memory_space<vmem>>) semaphore(%run_scoped3A : memref<!tpu.dma_semaphore, #tpu.memory_space<semaphore_mem>>) {add = true}
        %dma_wait3A_132 = arith.constant 0 : i32
        %dma_wait3A_133 = tpu.memref_slice %arg9[%add3A_67, %dma_wait3A_132] : memref<125x80xi32, #tpu.memory_space<vmem>> -> memref<1x80xi32, #tpu.memory_space<vmem>>
        %dma_wait3A_134 = tpu.memref_squeeze %dma_wait3A_133 : memref<1x80xi32, #tpu.memory_space<vmem>> -> memref<80xi32, #tpu.memory_space<vmem>>
        %dma_wait3A_135 = arith.constant 0 : i32
        %dma_wait3A_136 = arith.constant 0 : i32
        %dma_wait3A_137 = tpu.memref_slice %arg15[%dma_wait3A_135, %dma_wait3A_136] : memref<10240x64xf32, #tpu.memory_space<vmem_shared>> -> memref<10240x64xf32, #tpu.memory_space<vmem_shared>>
        tpu.wait_indirect_dma semaphore(%run_scoped3A : memref<!tpu.dma_semaphore, #tpu.memory_space<semaphore_mem>>) src(%arg11 : memref<80x64xf32, #tpu.memory_space<vmem>>) dst(%dma_wait3A_137 : memref<10240x64xf32, #tpu.memory_space<vmem_shared>>)
        tpu.yield
      }) : () -> ()
      %add3A_74 = arith.constant 5 : i32
      %add3A_75 = arith.addi %add3A_67, %add3A_74 : i32
      %lt3A_76 = arith.constant 125 : i32
      %lt3A_77 = arith.cmpi slt, %add3A_75, %lt3A_76 : i32
      %convert_element_type3A_78 = arith.extui %lt3A_77 : i1 to i32
      %cond3A_79 = arith.constant 0 : i32
      %cond3A_80 = arith.cmpi ne, %convert_element_type3A_78, %cond3A_79 : i32
      scf.if %cond3A_80 {
        %add3A_126 = arith.constant 5 : i32
        %add3A_127 = arith.addi %add3A_67, %add3A_126 : i32
        %dma_start3A_128 = arith.constant 0 : i32
        %dma_start3A_129 = tpu.memref_slice %arg8[%add3A_127, %dma_start3A_128] : memref<125x80xi32, #tpu.memory_space<vmem>> -> memref<1x80xi32, #tpu.memory_space<vmem>>
        %dma_start3A_130 = tpu.memref_squeeze %dma_start3A_129 : memref<1x80xi32, #tpu.memory_space<vmem>> -> memref<80xi32, #tpu.memory_space<vmem>>
        %dma_start3A_131 = arith.constant 0 : i32
        %dma_start3A_132 = arith.constant 0 : i32
        %dma_start3A_133 = tpu.memref_slice %arg2[%dma_start3A_131, %dma_start3A_132] : memref<10000x64xf32, #tpu.memory_space<hbm>> -> memref<10000x64xf32, #tpu.memory_space<hbm>>
        tpu.enqueue_indirect_dma source(%dma_start3A_133 : memref<10000x64xf32, #tpu.memory_space<hbm>>) target(%arg11 : memref<80x64xf32, #tpu.memory_space<vmem>>) offsets(%dma_start3A_130 : memref<80xi32, #tpu.memory_space<vmem>>) semaphore(%arg17 : memref<!tpu.dma_semaphore, #tpu.memory_space<semaphore_mem>>)
      } else {
      }
      %add3A_81 = arith.constant 2 : i32
      %add3A_82 = arith.addi %mul3A_52, %add3A_81 : i32
      %dma_wait3A_83 = arith.constant 0 : i32
      %dma_wait3A_84 = tpu.memref_slice %arg8[%add3A_82, %dma_wait3A_83] : memref<125x80xi32, #tpu.memory_space<vmem>> -> memref<1x80xi32, #tpu.memory_space<vmem>>
      %dma_wait3A_85 = tpu.memref_squeeze %dma_wait3A_84 : memref<1x80xi32, #tpu.memory_space<vmem>> -> memref<80xi32, #tpu.memory_space<vmem>>
      %dma_wait3A_86 = arith.constant 0 : i32
      %dma_wait3A_87 = arith.constant 0 : i32
      %dma_wait3A_88 = tpu.memref_slice %arg2[%dma_wait3A_86, %dma_wait3A_87] : memref<10000x64xf32, #tpu.memory_space<hbm>> -> memref<10000x64xf32, #tpu.memory_space<hbm>>
      tpu.wait_indirect_dma semaphore(%arg18 : memref<!tpu.dma_semaphore, #tpu.memory_space<semaphore_mem>>) src(%dma_wait3A_88 : memref<10000x64xf32, #tpu.memory_space<hbm>>) dst(%arg12 : memref<80x64xf32, #tpu.memory_space<vmem>>)
      "tpu.region"() ({
        %run_scoped3A = tpu.sem_alloc : memref<!tpu.dma_semaphore, #tpu.memory_space<semaphore_mem>>
        %dma_start3A_126 = arith.constant 0 : i32
        %dma_start3A_127 = tpu.memref_slice %arg9[%add3A_82, %dma_start3A_126] : memref<125x80xi32, #tpu.memory_space<vmem>> -> memref<1x80xi32, #tpu.memory_space<vmem>>
        %dma_start3A_128 = tpu.memref_squeeze %dma_start3A_127 : memref<1x80xi32, #tpu.memory_space<vmem>> -> memref<80xi32, #tpu.memory_space<vmem>>
        %dma_start3A_129 = arith.constant 0 : i32
        %dma_start3A_130 = arith.constant 0 : i32
        %dma_start3A_131 = tpu.memref_slice %arg15[%dma_start3A_129, %dma_start3A_130] : memref<10240x64xf32, #tpu.memory_space<vmem_shared>> -> memref<10240x64xf32, #tpu.memory_space<vmem_shared>>
        tpu.enqueue_indirect_dma source(%arg12 : memref<80x64xf32, #tpu.memory_space<vmem>>) target(%dma_start3A_131 : memref<10240x64xf32, #tpu.memory_space<vmem_shared>>) offsets(%dma_start3A_128 : memref<80xi32, #tpu.memory_space<vmem>>) semaphore(%run_scoped3A : memref<!tpu.dma_semaphore, #tpu.memory_space<semaphore_mem>>) {add = true}
        %dma_wait3A_132 = arith.constant 0 : i32
        %dma_wait3A_133 = tpu.memref_slice %arg9[%add3A_82, %dma_wait3A_132] : memref<125x80xi32, #tpu.memory_space<vmem>> -> memref<1x80xi32, #tpu.memory_space<vmem>>
        %dma_wait3A_134 = tpu.memref_squeeze %dma_wait3A_133 : memref<1x80xi32, #tpu.memory_space<vmem>> -> memref<80xi32, #tpu.memory_space<vmem>>
        %dma_wait3A_135 = arith.constant 0 : i32
        %dma_wait3A_136 = arith.constant 0 : i32
        %dma_wait3A_137 = tpu.memref_slice %arg15[%dma_wait3A_135, %dma_wait3A_136] : memref<10240x64xf32, #tpu.memory_space<vmem_shared>> -> memref<10240x64xf32, #tpu.memory_space<vmem_shared>>
        tpu.wait_indirect_dma semaphore(%run_scoped3A : memref<!tpu.dma_semaphore, #tpu.memory_space<semaphore_mem>>) src(%arg12 : memref<80x64xf32, #tpu.memory_space<vmem>>) dst(%dma_wait3A_137 : memref<10240x64xf32, #tpu.memory_space<vmem_shared>>)
        tpu.yield
      }) : () -> ()
      %add3A_89 = arith.constant 5 : i32
      %add3A_90 = arith.addi %add3A_82, %add3A_89 : i32
      %lt3A_91 = arith.constant 125 : i32
      %lt3A_92 = arith.cmpi slt, %add3A_90, %lt3A_91 : i32
      %convert_element_type3A_93 = arith.extui %lt3A_92 : i1 to i32
      %cond3A_94 = arith.constant 0 : i32
      %cond3A_95 = arith.cmpi ne, %convert_element_type3A_93, %cond3A_94 : i32
      scf.if %cond3A_95 {
        %add3A_126 = arith.constant 5 : i32
        %add3A_127 = arith.addi %add3A_82, %add3A_126 : i32
        %dma_start3A_128 = arith.constant 0 : i32
        %dma_start3A_129 = tpu.memref_slice %arg8[%add3A_127, %dma_start3A_128] : memref<125x80xi32, #tpu.memory_space<vmem>> -> memref<1x80xi32, #tpu.memory_space<vmem>>
        %dma_start3A_130 = tpu.memref_squeeze %dma_start3A_129 : memref<1x80xi32, #tpu.memory_space<vmem>> -> memref<80xi32, #tpu.memory_space<vmem>>
        %dma_start3A_131 = arith.constant 0 : i32
        %dma_start3A_132 = arith.constant 0 : i32
        %dma_start3A_133 = tpu.memref_slice %arg2[%dma_start3A_131, %dma_start3A_132] : memref<10000x64xf32, #tpu.memory_space<hbm>> -> memref<10000x64xf32, #tpu.memory_space<hbm>>
        tpu.enqueue_indirect_dma source(%dma_start3A_133 : memref<10000x64xf32, #tpu.memory_space<hbm>>) target(%arg12 : memref<80x64xf32, #tpu.memory_space<vmem>>) offsets(%dma_start3A_130 : memref<80xi32, #tpu.memory_space<vmem>>) semaphore(%arg18 : memref<!tpu.dma_semaphore, #tpu.memory_space<semaphore_mem>>)
      } else {
      }
      %add3A_96 = arith.constant 3 : i32
      %add3A_97 = arith.addi %mul3A_52, %add3A_96 : i32
      %dma_wait3A_98 = arith.constant 0 : i32
      %dma_wait3A_99 = tpu.memref_slice %arg8[%add3A_97, %dma_wait3A_98] : memref<125x80xi32, #tpu.memory_space<vmem>> -> memref<1x80xi32, #tpu.memory_space<vmem>>
      %dma_wait3A_100 = tpu.memref_squeeze %dma_wait3A_99 : memref<1x80xi32, #tpu.memory_space<vmem>> -> memref<80xi32, #tpu.memory_space<vmem>>
      %dma_wait3A_101 = arith.constant 0 : i32
      %dma_wait3A_102 = arith.constant 0 : i32
      %dma_wait3A_103 = tpu.memref_slice %arg2[%dma_wait3A_101, %dma_wait3A_102] : memref<10000x64xf32, #tpu.memory_space<hbm>> -> memref<10000x64xf32, #tpu.memory_space<hbm>>
      tpu.wait_indirect_dma semaphore(%arg19 : memref<!tpu.dma_semaphore, #tpu.memory_space<semaphore_mem>>) src(%dma_wait3A_103 : memref<10000x64xf32, #tpu.memory_space<hbm>>) dst(%arg13 : memref<80x64xf32, #tpu.memory_space<vmem>>)
      "tpu.region"() ({
        %run_scoped3A = tpu.sem_alloc : memref<!tpu.dma_semaphore, #tpu.memory_space<semaphore_mem>>
        %dma_start3A_126 = arith.constant 0 : i32
        %dma_start3A_127 = tpu.memref_slice %arg9[%add3A_97, %dma_start3A_126] : memref<125x80xi32, #tpu.memory_space<vmem>> -> memref<1x80xi32, #tpu.memory_space<vmem>>
        %dma_start3A_128 = tpu.memref_squeeze %dma_start3A_127 : memref<1x80xi32, #tpu.memory_space<vmem>> -> memref<80xi32, #tpu.memory_space<vmem>>
        %dma_start3A_129 = arith.constant 0 : i32
        %dma_start3A_130 = arith.constant 0 : i32
        %dma_start3A_131 = tpu.memref_slice %arg15[%dma_start3A_129, %dma_start3A_130] : memref<10240x64xf32, #tpu.memory_space<vmem_shared>> -> memref<10240x64xf32, #tpu.memory_space<vmem_shared>>
        tpu.enqueue_indirect_dma source(%arg13 : memref<80x64xf32, #tpu.memory_space<vmem>>) target(%dma_start3A_131 : memref<10240x64xf32, #tpu.memory_space<vmem_shared>>) offsets(%dma_start3A_128 : memref<80xi32, #tpu.memory_space<vmem>>) semaphore(%run_scoped3A : memref<!tpu.dma_semaphore, #tpu.memory_space<semaphore_mem>>) {add = true}
        %dma_wait3A_132 = arith.constant 0 : i32
        %dma_wait3A_133 = tpu.memref_slice %arg9[%add3A_97, %dma_wait3A_132] : memref<125x80xi32, #tpu.memory_space<vmem>> -> memref<1x80xi32, #tpu.memory_space<vmem>>
        %dma_wait3A_134 = tpu.memref_squeeze %dma_wait3A_133 : memref<1x80xi32, #tpu.memory_space<vmem>> -> memref<80xi32, #tpu.memory_space<vmem>>
        %dma_wait3A_135 = arith.constant 0 : i32
        %dma_wait3A_136 = arith.constant 0 : i32
        %dma_wait3A_137 = tpu.memref_slice %arg15[%dma_wait3A_135, %dma_wait3A_136] : memref<10240x64xf32, #tpu.memory_space<vmem_shared>> -> memref<10240x64xf32, #tpu.memory_space<vmem_shared>>
        tpu.wait_indirect_dma semaphore(%run_scoped3A : memref<!tpu.dma_semaphore, #tpu.memory_space<semaphore_mem>>) src(%arg13 : memref<80x64xf32, #tpu.memory_space<vmem>>) dst(%dma_wait3A_137 : memref<10240x64xf32, #tpu.memory_space<vmem_shared>>)
        tpu.yield
      }) : () -> ()
      %add3A_104 = arith.constant 5 : i32
      %add3A_105 = arith.addi %add3A_97, %add3A_104 : i32
      %lt3A_106 = arith.constant 125 : i32
      %lt3A_107 = arith.cmpi slt, %add3A_105, %lt3A_106 : i32
      %convert_element_type3A_108 = arith.extui %lt3A_107 : i1 to i32
      %cond3A_109 = arith.constant 0 : i32
      %cond3A_110 = arith.cmpi ne, %convert_element_type3A_108, %cond3A_109 : i32
      scf.if %cond3A_110 {
        %add3A_126 = arith.constant 5 : i32
        %add3A_127 = arith.addi %add3A_97, %add3A_126 : i32
        %dma_start3A_128 = arith.constant 0 : i32
        %dma_start3A_129 = tpu.memref_slice %arg8[%add3A_127, %dma_start3A_128] : memref<125x80xi32, #tpu.memory_space<vmem>> -> memref<1x80xi32, #tpu.memory_space<vmem>>
        %dma_start3A_130 = tpu.memref_squeeze %dma_start3A_129 : memref<1x80xi32, #tpu.memory_space<vmem>> -> memref<80xi32, #tpu.memory_space<vmem>>
        %dma_start3A_131 = arith.constant 0 : i32
        %dma_start3A_132 = arith.constant 0 : i32
        %dma_start3A_133 = tpu.memref_slice %arg2[%dma_start3A_131, %dma_start3A_132] : memref<10000x64xf32, #tpu.memory_space<hbm>> -> memref<10000x64xf32, #tpu.memory_space<hbm>>
        tpu.enqueue_indirect_dma source(%dma_start3A_133 : memref<10000x64xf32, #tpu.memory_space<hbm>>) target(%arg13 : memref<80x64xf32, #tpu.memory_space<vmem>>) offsets(%dma_start3A_130 : memref<80xi32, #tpu.memory_space<vmem>>) semaphore(%arg19 : memref<!tpu.dma_semaphore, #tpu.memory_space<semaphore_mem>>)
      } else {
      }
      %add3A_111 = arith.constant 4 : i32
      %add3A_112 = arith.addi %mul3A_52, %add3A_111 : i32
      %dma_wait3A_113 = arith.constant 0 : i32
      %dma_wait3A_114 = tpu.memref_slice %arg8[%add3A_112, %dma_wait3A_113] : memref<125x80xi32, #tpu.memory_space<vmem>> -> memref<1x80xi32, #tpu.memory_space<vmem>>
      %dma_wait3A_115 = tpu.memref_squeeze %dma_wait3A_114 : memref<1x80xi32, #tpu.memory_space<vmem>> -> memref<80xi32, #tpu.memory_space<vmem>>
      %dma_wait3A_116 = arith.constant 0 : i32
      %dma_wait3A_117 = arith.constant 0 : i32
      %dma_wait3A_118 = tpu.memref_slice %arg2[%dma_wait3A_116, %dma_wait3A_117] : memref<10000x64xf32, #tpu.memory_space<hbm>> -> memref<10000x64xf32, #tpu.memory_space<hbm>>
      tpu.wait_indirect_dma semaphore(%arg20 : memref<!tpu.dma_semaphore, #tpu.memory_space<semaphore_mem>>) src(%dma_wait3A_118 : memref<10000x64xf32, #tpu.memory_space<hbm>>) dst(%arg14 : memref<80x64xf32, #tpu.memory_space<vmem>>)
      "tpu.region"() ({
        %run_scoped3A = tpu.sem_alloc : memref<!tpu.dma_semaphore, #tpu.memory_space<semaphore_mem>>
        %dma_start3A_126 = arith.constant 0 : i32
        %dma_start3A_127 = tpu.memref_slice %arg9[%add3A_112, %dma_start3A_126] : memref<125x80xi32, #tpu.memory_space<vmem>> -> memref<1x80xi32, #tpu.memory_space<vmem>>
        %dma_start3A_128 = tpu.memref_squeeze %dma_start3A_127 : memref<1x80xi32, #tpu.memory_space<vmem>> -> memref<80xi32, #tpu.memory_space<vmem>>
        %dma_start3A_129 = arith.constant 0 : i32
        %dma_start3A_130 = arith.constant 0 : i32
        %dma_start3A_131 = tpu.memref_slice %arg15[%dma_start3A_129, %dma_start3A_130] : memref<10240x64xf32, #tpu.memory_space<vmem_shared>> -> memref<10240x64xf32, #tpu.memory_space<vmem_shared>>
        tpu.enqueue_indirect_dma source(%arg14 : memref<80x64xf32, #tpu.memory_space<vmem>>) target(%dma_start3A_131 : memref<10240x64xf32, #tpu.memory_space<vmem_shared>>) offsets(%dma_start3A_128 : memref<80xi32, #tpu.memory_space<vmem>>) semaphore(%run_scoped3A : memref<!tpu.dma_semaphore, #tpu.memory_space<semaphore_mem>>) {add = true}
        %dma_wait3A_132 = arith.constant 0 : i32
        %dma_wait3A_133 = tpu.memref_slice %arg9[%add3A_112, %dma_wait3A_132] : memref<125x80xi32, #tpu.memory_space<vmem>> -> memref<1x80xi32, #tpu.memory_space<vmem>>
        %dma_wait3A_134 = tpu.memref_squeeze %dma_wait3A_133 : memref<1x80xi32, #tpu.memory_space<vmem>> -> memref<80xi32, #tpu.memory_space<vmem>>
        %dma_wait3A_135 = arith.constant 0 : i32
        %dma_wait3A_136 = arith.constant 0 : i32
        %dma_wait3A_137 = tpu.memref_slice %arg15[%dma_wait3A_135, %dma_wait3A_136] : memref<10240x64xf32, #tpu.memory_space<vmem_shared>> -> memref<10240x64xf32, #tpu.memory_space<vmem_shared>>
        tpu.wait_indirect_dma semaphore(%run_scoped3A : memref<!tpu.dma_semaphore, #tpu.memory_space<semaphore_mem>>) src(%arg14 : memref<80x64xf32, #tpu.memory_space<vmem>>) dst(%dma_wait3A_137 : memref<10240x64xf32, #tpu.memory_space<vmem_shared>>)
        tpu.yield
      }) : () -> ()
      %add3A_119 = arith.constant 5 : i32
      %add3A_120 = arith.addi %add3A_112, %add3A_119 : i32
      %lt3A_121 = arith.constant 125 : i32
      %lt3A_122 = arith.cmpi slt, %add3A_120, %lt3A_121 : i32
      %convert_element_type3A_123 = arith.extui %lt3A_122 : i1 to i32
      %cond3A_124 = arith.constant 0 : i32
      %cond3A_125 = arith.cmpi ne, %convert_element_type3A_123, %cond3A_124 : i32
      scf.if %cond3A_125 {
        %add3A_126 = arith.constant 5 : i32
        %add3A_127 = arith.addi %add3A_112, %add3A_126 : i32
        %dma_start3A_128 = arith.constant 0 : i32
        %dma_start3A_129 = tpu.memref_slice %arg8[%add3A_127, %dma_start3A_128] : memref<125x80xi32, #tpu.memory_space<vmem>> -> memref<1x80xi32, #tpu.memory_space<vmem>>
        %dma_start3A_130 = tpu.memref_squeeze %dma_start3A_129 : memref<1x80xi32, #tpu.memory_space<vmem>> -> memref<80xi32, #tpu.memory_space<vmem>>
        %dma_start3A_131 = arith.constant 0 : i32
        %dma_start3A_132 = arith.constant 0 : i32
        %dma_start3A_133 = tpu.memref_slice %arg2[%dma_start3A_131, %dma_start3A_132] : memref<10000x64xf32, #tpu.memory_space<hbm>> -> memref<10000x64xf32, #tpu.memory_space<hbm>>
        tpu.enqueue_indirect_dma source(%dma_start3A_133 : memref<10000x64xf32, #tpu.memory_space<hbm>>) target(%arg14 : memref<80x64xf32, #tpu.memory_space<vmem>>) offsets(%dma_start3A_130 : memref<80xi32, #tpu.memory_space<vmem>>) semaphore(%arg20 : memref<!tpu.dma_semaphore, #tpu.memory_space<semaphore_mem>>)
      } else {
      }
    }
    %scan3A_41 = arith.constant 25 : i32
    %barrier3A_42 = arith.constant 0 : index
    tpu.barrier barrier_id(%barrier3A_42)
    %eq3A = arith.constant 0 : i32
    %eq3A_43 = arith.cmpi eq, %arg0, %eq3A : i32
    %convert_element_type3A = arith.extui %eq3A_43 : i1 to i32
    %cond3A = arith.constant 0 : i32
    %cond3A_44 = arith.cmpi ne, %convert_element_type3A, %cond3A : i32
    scf.if %cond3A_44 {
      %mul3A_50 = arith.constant 640 : i32
      %mul3A_51 = arith.muli %arg1, %mul3A_50 : i32
      %mul3A_52 = arith.constant 640 : i32
      %mul3A_53 = arith.muli %arg1, %mul3A_52 : i32
      "tpu.region"() ({
        %run_scoped3A = tpu.sem_alloc : memref<!tpu.dma_semaphore, #tpu.memory_space<semaphore_mem>>
        %dma_start3A_54 = arith.constant 0 : i32
        %dma_start3A_55 = tpu.memref_slice %arg6[%mul3A_53, %dma_start3A_54] : memref<10240x64xf32, #tpu.memory_space<hbm>> -> memref<640x64xf32, #tpu.memory_space<hbm>>
        %dma_start3A_56 = arith.constant 0 : i32
        %dma_start3A_57 = tpu.memref_slice %arg15[%mul3A_51, %dma_start3A_56] : memref<10240x64xf32, #tpu.memory_space<vmem_shared>> -> memref<640x64xf32, #tpu.memory_space<vmem_shared>>
        tpu.enqueue_dma source(%dma_start3A_57 : memref<640x64xf32, #tpu.memory_space<vmem_shared>>) target(%dma_start3A_55 : memref<640x64xf32, #tpu.memory_space<hbm>>) target_semaphore(%run_scoped3A : memref<!tpu.dma_semaphore, #tpu.memory_space<semaphore_mem>>)
        %dma_wait3A = arith.constant 0 : i32
        %dma_wait3A_58 = tpu.memref_slice %arg6[%mul3A_53, %dma_wait3A] : memref<10240x64xf32, #tpu.memory_space<hbm>> -> memref<640x64xf32, #tpu.memory_space<hbm>>
        %dma_wait3A_59 = arith.constant 0 : i32
        %dma_wait3A_60 = tpu.memref_slice %arg15[%mul3A_51, %dma_wait3A_59] : memref<10240x64xf32, #tpu.memory_space<vmem_shared>> -> memref<640x64xf32, #tpu.memory_space<vmem_shared>>
        tpu.wait_dma2 semaphore(%run_scoped3A : memref<!tpu.dma_semaphore, #tpu.memory_space<semaphore_mem>>) src(%dma_wait3A_60 : memref<640x64xf32, #tpu.memory_space<vmem_shared>>) dst(%dma_wait3A_58 : memref<640x64xf32, #tpu.memory_space<hbm>>)
        tpu.yield
      }) : () -> ()
    } else {
    }
    %eq3A_45 = arith.constant 1 : i32
    %eq3A_46 = arith.cmpi eq, %arg0, %eq3A_45 : i32
    %convert_element_type3A_47 = arith.extui %eq3A_46 : i1 to i32
    %cond3A_48 = arith.constant 0 : i32
    %cond3A_49 = arith.cmpi ne, %convert_element_type3A_47, %cond3A_48 : i32
    scf.if %cond3A_49 {
      %mul3A_50 = arith.constant 640 : i32
      %mul3A_51 = arith.muli %arg1, %mul3A_50 : i32
      %mul3A_52 = arith.constant 640 : i32
      %mul3A_53 = arith.muli %arg1, %mul3A_52 : i32
      "tpu.region"() ({
        %run_scoped3A = tpu.sem_alloc : memref<!tpu.dma_semaphore, #tpu.memory_space<semaphore_mem>>
        %dma_start3A_54 = arith.constant 0 : i32
        %dma_start3A_55 = tpu.memref_slice %arg7[%mul3A_53, %dma_start3A_54] : memref<10240x64xf32, #tpu.memory_space<hbm>> -> memref<640x64xf32, #tpu.memory_space<hbm>>
        %dma_start3A_56 = arith.constant 0 : i32
        %dma_start3A_57 = tpu.memref_slice %arg15[%mul3A_51, %dma_start3A_56] : memref<10240x64xf32, #tpu.memory_space<vmem_shared>> -> memref<640x64xf32, #tpu.memory_space<vmem_shared>>
        tpu.enqueue_dma source(%dma_start3A_57 : memref<640x64xf32, #tpu.memory_space<vmem_shared>>) target(%dma_start3A_55 : memref<640x64xf32, #tpu.memory_space<hbm>>) target_semaphore(%run_scoped3A : memref<!tpu.dma_semaphore, #tpu.memory_space<semaphore_mem>>)
        %dma_wait3A = arith.constant 0 : i32
        %dma_wait3A_58 = tpu.memref_slice %arg7[%mul3A_53, %dma_wait3A] : memref<10240x64xf32, #tpu.memory_space<hbm>> -> memref<640x64xf32, #tpu.memory_space<hbm>>
        %dma_wait3A_59 = arith.constant 0 : i32
        %dma_wait3A_60 = tpu.memref_slice %arg15[%mul3A_51, %dma_wait3A_59] : memref<10240x64xf32, #tpu.memory_space<vmem_shared>> -> memref<640x64xf32, #tpu.memory_space<vmem_shared>>
        tpu.wait_dma2 semaphore(%run_scoped3A : memref<!tpu.dma_semaphore, #tpu.memory_space<semaphore_mem>>) src(%dma_wait3A_60 : memref<640x64xf32, #tpu.memory_space<vmem_shared>>) dst(%dma_wait3A_58 : memref<640x64xf32, #tpu.memory_space<hbm>>)
        tpu.yield
      }) : () -> ()
    } else {
    }
    return
  }
}

#map = affine_map<(d0, d1) -> (0, 0, 0)>
#map1 = affine_map<(d0, d1) -> (0, 0)>
module attributes {stable_mosaic.version = 14 : i64} {
  func.func @_deg_kernel(%arg0: i32, %arg1: i32, %arg2: memref<32x125x80xi32, #tpu.memory_space<hbm>>, %arg3: memref<640x8xf32, #tpu.memory_space<hbm>>, %arg4: memref<80x8xf32, #tpu.memory_space<hbm>>, %arg5: memref<10240x8xf32, #tpu.memory_space<hbm>>, %arg6: memref<10240x8xf32, #tpu.memory_space<hbm>>, %arg7: memref<125x80xi32, #tpu.memory_space<vmem>>, %arg8: memref<80x8xf32, #tpu.memory_space<vmem>>, %arg9: memref<10240x8xf32, #tpu.memory_space<vmem_shared>>) attributes {dimension_semantics = [#tpu.dimension_semantics<core_parallel>, #tpu.dimension_semantics<subcore_parallel>], iteration_bounds = array<i64: 2, 16>, scalar_prefetch = 0 : i64, scratch_operands = 3 : i64, tpu.core_type = #tpu.core_type<sc_vector_subcore>, window_params = [{transform_indices = #map}, {transform_indices = #map1}, {transform_indices = #map1}, {transform_indices = #map1}, {transform_indices = #map1}]} {
    %mul3A = arith.constant 2 : i32
    %mul3A_0 = arith.muli %arg1, %mul3A : i32
    %add3A = arith.addi %mul3A_0, %arg0 : i32
    %mul3A_1 = arith.constant 640 : i32
    %mul3A_2 = arith.muli %arg1, %mul3A_1 : i32
    "tpu.region"() ({
      %run_scoped3A = tpu.sem_alloc : memref<!tpu.dma_semaphore, #tpu.memory_space<semaphore_mem>>
      %dma_start3A = arith.constant 0 : i32
      %dma_start3A_16 = tpu.memref_slice %arg9[%mul3A_2, %dma_start3A] : memref<10240x8xf32, #tpu.memory_space<vmem_shared>> -> memref<640x8xf32, #tpu.memory_space<vmem_shared>>
      tpu.enqueue_dma source(%arg3 : memref<640x8xf32, #tpu.memory_space<hbm>>) target(%dma_start3A_16 : memref<640x8xf32, #tpu.memory_space<vmem_shared>>) target_semaphore(%run_scoped3A : memref<!tpu.dma_semaphore, #tpu.memory_space<semaphore_mem>>)
      %dma_wait3A = arith.constant 0 : i32
      %dma_wait3A_17 = tpu.memref_slice %arg9[%mul3A_2, %dma_wait3A] : memref<10240x8xf32, #tpu.memory_space<vmem_shared>> -> memref<640x8xf32, #tpu.memory_space<vmem_shared>>
      tpu.wait_dma2 semaphore(%run_scoped3A : memref<!tpu.dma_semaphore, #tpu.memory_space<semaphore_mem>>) src(%arg3 : memref<640x8xf32, #tpu.memory_space<hbm>>) dst(%dma_wait3A_17 : memref<640x8xf32, #tpu.memory_space<vmem_shared>>)
      tpu.yield
    }) : () -> ()
    "tpu.region"() ({
      %run_scoped3A = tpu.sem_alloc : memref<!tpu.dma_semaphore, #tpu.memory_space<semaphore_mem>>
      %dma_start3A = arith.constant 0 : i32
      %dma_start3A_16 = arith.constant 0 : i32
      %dma_start3A_17 = tpu.memref_slice %arg2[%add3A, %dma_start3A, %dma_start3A_16] : memref<32x125x80xi32, #tpu.memory_space<hbm>> -> memref<1x125x80xi32, #tpu.memory_space<hbm>>
      %dma_start3A_18 = tpu.memref_squeeze %dma_start3A_17 : memref<1x125x80xi32, #tpu.memory_space<hbm>> -> memref<125x80xi32, #tpu.memory_space<hbm>>
      %dma_start3A_19 = arith.constant 0 : i32
      %dma_start3A_20 = arith.constant 0 : i32
      %dma_start3A_21 = tpu.memref_slice %arg2[%add3A, %dma_start3A_19, %dma_start3A_20] : memref<32x125x80xi32, #tpu.memory_space<hbm>> -> memref<1x125x80xi32, #tpu.memory_space<hbm>>
      %dma_start3A_22 = tpu.memref_squeeze %dma_start3A_21 : memref<1x125x80xi32, #tpu.memory_space<hbm>> -> memref<125x80xi32, #tpu.memory_space<hbm>>
      tpu.enqueue_dma source(%dma_start3A_22 : memref<125x80xi32, #tpu.memory_space<hbm>>) target(%arg7 : memref<125x80xi32, #tpu.memory_space<vmem>>) target_semaphore(%run_scoped3A : memref<!tpu.dma_semaphore, #tpu.memory_space<semaphore_mem>>)
      %dma_wait3A = arith.constant 0 : i32
      %dma_wait3A_23 = arith.constant 0 : i32
      %dma_wait3A_24 = tpu.memref_slice %arg2[%add3A, %dma_wait3A, %dma_wait3A_23] : memref<32x125x80xi32, #tpu.memory_space<hbm>> -> memref<1x125x80xi32, #tpu.memory_space<hbm>>
      %dma_wait3A_25 = tpu.memref_squeeze %dma_wait3A_24 : memref<1x125x80xi32, #tpu.memory_space<hbm>> -> memref<125x80xi32, #tpu.memory_space<hbm>>
      %dma_wait3A_26 = arith.constant 0 : i32
      %dma_wait3A_27 = arith.constant 0 : i32
      %dma_wait3A_28 = tpu.memref_slice %arg2[%add3A, %dma_wait3A_26, %dma_wait3A_27] : memref<32x125x80xi32, #tpu.memory_space<hbm>> -> memref<1x125x80xi32, #tpu.memory_space<hbm>>
      %dma_wait3A_29 = tpu.memref_squeeze %dma_wait3A_28 : memref<1x125x80xi32, #tpu.memory_space<hbm>> -> memref<125x80xi32, #tpu.memory_space<hbm>>
      tpu.wait_dma2 semaphore(%run_scoped3A : memref<!tpu.dma_semaphore, #tpu.memory_space<semaphore_mem>>) src(%dma_wait3A_29 : memref<125x80xi32, #tpu.memory_space<hbm>>) dst(%arg7 : memref<125x80xi32, #tpu.memory_space<vmem>>)
      tpu.yield
    }) : () -> ()
    "tpu.region"() ({
      %run_scoped3A = tpu.sem_alloc : memref<!tpu.dma_semaphore, #tpu.memory_space<semaphore_mem>>
      tpu.enqueue_dma source(%arg4 : memref<80x8xf32, #tpu.memory_space<hbm>>) target(%arg8 : memref<80x8xf32, #tpu.memory_space<vmem>>) target_semaphore(%run_scoped3A : memref<!tpu.dma_semaphore, #tpu.memory_space<semaphore_mem>>)
      tpu.wait_dma2 semaphore(%run_scoped3A : memref<!tpu.dma_semaphore, #tpu.memory_space<semaphore_mem>>) src(%arg4 : memref<80x8xf32, #tpu.memory_space<hbm>>) dst(%arg8 : memref<80x8xf32, #tpu.memory_space<vmem>>)
      tpu.yield
    }) : () -> ()
    %barrier3A = arith.constant 0 : index
    tpu.barrier barrier_id(%barrier3A)
    %scan3A = arith.constant 0 : i32
    %scan3A_3 = arith.constant 0 : i32
    %scan3A_4 = arith.constant 125 : i32
    %scan3A_5 = arith.addi %scan3A_3, %scan3A_4 : i32
    %scan3A_6 = arith.constant 1 : i32
    scf.for %scan3A_16 = %scan3A_3 to %scan3A_5 step %scan3A_6  : i32 {
      "tpu.region"() ({
        %run_scoped3A = tpu.sem_alloc : memref<!tpu.dma_semaphore, #tpu.memory_space<semaphore_mem>>
        %dma_start3A = arith.constant 0 : i32
        %dma_start3A_17 = tpu.memref_slice %arg7[%scan3A_16, %dma_start3A] : memref<125x80xi32, #tpu.memory_space<vmem>> -> memref<1x80xi32, #tpu.memory_space<vmem>>
        %dma_start3A_18 = tpu.memref_squeeze %dma_start3A_17 : memref<1x80xi32, #tpu.memory_space<vmem>> -> memref<80xi32, #tpu.memory_space<vmem>>
        %dma_start3A_19 = arith.constant 0 : i32
        %dma_start3A_20 = arith.constant 0 : i32
        %dma_start3A_21 = tpu.memref_slice %arg9[%dma_start3A_19, %dma_start3A_20] : memref<10240x8xf32, #tpu.memory_space<vmem_shared>> -> memref<10240x8xf32, #tpu.memory_space<vmem_shared>>
        tpu.enqueue_indirect_dma source(%arg8 : memref<80x8xf32, #tpu.memory_space<vmem>>) target(%dma_start3A_21 : memref<10240x8xf32, #tpu.memory_space<vmem_shared>>) offsets(%dma_start3A_18 : memref<80xi32, #tpu.memory_space<vmem>>) semaphore(%run_scoped3A : memref<!tpu.dma_semaphore, #tpu.memory_space<semaphore_mem>>) {add = true}
        %dma_wait3A = arith.constant 0 : i32
        %dma_wait3A_22 = tpu.memref_slice %arg7[%scan3A_16, %dma_wait3A] : memref<125x80xi32, #tpu.memory_space<vmem>> -> memref<1x80xi32, #tpu.memory_space<vmem>>
        %dma_wait3A_23 = tpu.memref_squeeze %dma_wait3A_22 : memref<1x80xi32, #tpu.memory_space<vmem>> -> memref<80xi32, #tpu.memory_space<vmem>>
        %dma_wait3A_24 = arith.constant 0 : i32
        %dma_wait3A_25 = arith.constant 0 : i32
        %dma_wait3A_26 = tpu.memref_slice %arg9[%dma_wait3A_24, %dma_wait3A_25] : memref<10240x8xf32, #tpu.memory_space<vmem_shared>> -> memref<10240x8xf32, #tpu.memory_space<vmem_shared>>
        tpu.wait_indirect_dma semaphore(%run_scoped3A : memref<!tpu.dma_semaphore, #tpu.memory_space<semaphore_mem>>) src(%arg8 : memref<80x8xf32, #tpu.memory_space<vmem>>) dst(%dma_wait3A_26 : memref<10240x8xf32, #tpu.memory_space<vmem_shared>>)
        tpu.yield
      }) : () -> ()
    }
    %scan3A_7 = arith.constant 125 : i32
    %barrier3A_8 = arith.constant 0 : index
    tpu.barrier barrier_id(%barrier3A_8)
    %eq3A = arith.constant 0 : i32
    %eq3A_9 = arith.cmpi eq, %arg0, %eq3A : i32
    %convert_element_type3A = arith.extui %eq3A_9 : i1 to i32
    %cond3A = arith.constant 0 : i32
    %cond3A_10 = arith.cmpi ne, %convert_element_type3A, %cond3A : i32
    scf.if %cond3A_10 {
      %mul3A_16 = arith.constant 640 : i32
      %mul3A_17 = arith.muli %arg1, %mul3A_16 : i32
      %mul3A_18 = arith.constant 640 : i32
      %mul3A_19 = arith.muli %arg1, %mul3A_18 : i32
      "tpu.region"() ({
        %run_scoped3A = tpu.sem_alloc : memref<!tpu.dma_semaphore, #tpu.memory_space<semaphore_mem>>
        %dma_start3A = arith.constant 0 : i32
        %dma_start3A_20 = tpu.memref_slice %arg5[%mul3A_19, %dma_start3A] : memref<10240x8xf32, #tpu.memory_space<hbm>> -> memref<640x8xf32, #tpu.memory_space<hbm>>
        %dma_start3A_21 = arith.constant 0 : i32
        %dma_start3A_22 = tpu.memref_slice %arg9[%mul3A_17, %dma_start3A_21] : memref<10240x8xf32, #tpu.memory_space<vmem_shared>> -> memref<640x8xf32, #tpu.memory_space<vmem_shared>>
        tpu.enqueue_dma source(%dma_start3A_22 : memref<640x8xf32, #tpu.memory_space<vmem_shared>>) target(%dma_start3A_20 : memref<640x8xf32, #tpu.memory_space<hbm>>) target_semaphore(%run_scoped3A : memref<!tpu.dma_semaphore, #tpu.memory_space<semaphore_mem>>)
        %dma_wait3A = arith.constant 0 : i32
        %dma_wait3A_23 = tpu.memref_slice %arg5[%mul3A_19, %dma_wait3A] : memref<10240x8xf32, #tpu.memory_space<hbm>> -> memref<640x8xf32, #tpu.memory_space<hbm>>
        %dma_wait3A_24 = arith.constant 0 : i32
        %dma_wait3A_25 = tpu.memref_slice %arg9[%mul3A_17, %dma_wait3A_24] : memref<10240x8xf32, #tpu.memory_space<vmem_shared>> -> memref<640x8xf32, #tpu.memory_space<vmem_shared>>
        tpu.wait_dma2 semaphore(%run_scoped3A : memref<!tpu.dma_semaphore, #tpu.memory_space<semaphore_mem>>) src(%dma_wait3A_25 : memref<640x8xf32, #tpu.memory_space<vmem_shared>>) dst(%dma_wait3A_23 : memref<640x8xf32, #tpu.memory_space<hbm>>)
        tpu.yield
      }) : () -> ()
    } else {
    }
    %eq3A_11 = arith.constant 1 : i32
    %eq3A_12 = arith.cmpi eq, %arg0, %eq3A_11 : i32
    %convert_element_type3A_13 = arith.extui %eq3A_12 : i1 to i32
    %cond3A_14 = arith.constant 0 : i32
    %cond3A_15 = arith.cmpi ne, %convert_element_type3A_13, %cond3A_14 : i32
    scf.if %cond3A_15 {
      %mul3A_16 = arith.constant 640 : i32
      %mul3A_17 = arith.muli %arg1, %mul3A_16 : i32
      %mul3A_18 = arith.constant 640 : i32
      %mul3A_19 = arith.muli %arg1, %mul3A_18 : i32
      "tpu.region"() ({
        %run_scoped3A = tpu.sem_alloc : memref<!tpu.dma_semaphore, #tpu.memory_space<semaphore_mem>>
        %dma_start3A = arith.constant 0 : i32
        %dma_start3A_20 = tpu.memref_slice %arg6[%mul3A_19, %dma_start3A] : memref<10240x8xf32, #tpu.memory_space<hbm>> -> memref<640x8xf32, #tpu.memory_space<hbm>>
        %dma_start3A_21 = arith.constant 0 : i32
        %dma_start3A_22 = tpu.memref_slice %arg9[%mul3A_17, %dma_start3A_21] : memref<10240x8xf32, #tpu.memory_space<vmem_shared>> -> memref<640x8xf32, #tpu.memory_space<vmem_shared>>
        tpu.enqueue_dma source(%dma_start3A_22 : memref<640x8xf32, #tpu.memory_space<vmem_shared>>) target(%dma_start3A_20 : memref<640x8xf32, #tpu.memory_space<hbm>>) target_semaphore(%run_scoped3A : memref<!tpu.dma_semaphore, #tpu.memory_space<semaphore_mem>>)
        %dma_wait3A = arith.constant 0 : i32
        %dma_wait3A_23 = tpu.memref_slice %arg6[%mul3A_19, %dma_wait3A] : memref<10240x8xf32, #tpu.memory_space<hbm>> -> memref<640x8xf32, #tpu.memory_space<hbm>>
        %dma_wait3A_24 = arith.constant 0 : i32
        %dma_wait3A_25 = tpu.memref_slice %arg9[%mul3A_17, %dma_wait3A_24] : memref<10240x8xf32, #tpu.memory_space<vmem_shared>> -> memref<640x8xf32, #tpu.memory_space<vmem_shared>>
        tpu.wait_dma2 semaphore(%run_scoped3A : memref<!tpu.dma_semaphore, #tpu.memory_space<semaphore_mem>>) src(%dma_wait3A_25 : memref<640x8xf32, #tpu.memory_space<vmem_shared>>) dst(%dma_wait3A_23 : memref<640x8xf32, #tpu.memory_space<hbm>>)
        tpu.yield
      }) : () -> ()
    } else {
    }
    return
  }
}

#map = affine_map<(d0, d1) -> (0, 0)>
#map1 = affine_map<(d0, d1) -> (0, 0, 0)>
module attributes {stable_mosaic.version = 14 : i64} {
  func.func @_agg_kernel(%arg0: i32, %arg1: i32, %arg2: memref<10000x64xf32, #tpu.memory_space<hbm>>, %arg3: memref<32x125x80xi32, #tpu.memory_space<hbm>>, %arg4: memref<32x125x80xi32, #tpu.memory_space<hbm>>, %arg5: memref<640x64xf32, #tpu.memory_space<hbm>>, %arg6: memref<10240x64xf32, #tpu.memory_space<hbm>>, %arg7: memref<10240x64xf32, #tpu.memory_space<hbm>>, %arg8: memref<125x80xi32, #tpu.memory_space<vmem>>, %arg9: memref<125x80xi32, #tpu.memory_space<vmem>>, %arg10: memref<80x64xf32, #tpu.memory_space<vmem>>, %arg11: memref<80x64xf32, #tpu.memory_space<vmem>>, %arg12: memref<80x64xf32, #tpu.memory_space<vmem>>, %arg13: memref<80x64xf32, #tpu.memory_space<vmem>>, %arg14: memref<80x64xf32, #tpu.memory_space<vmem>>, %arg15: memref<10240x64xf32, #tpu.memory_space<vmem_shared>>, %arg16: memref<!tpu.dma_semaphore, #tpu.memory_space<semaphore_mem>>, %arg17: memref<!tpu.dma_semaphore, #tpu.memory_space<semaphore_mem>>, %arg18: memref<!tpu.dma_semaphore, #tpu.memory_space<semaphore_mem>>, %arg19: memref<!tpu.dma_semaphore, #tpu.memory_space<semaphore_mem>>, %arg20: memref<!tpu.dma_semaphore, #tpu.memory_space<semaphore_mem>>) attributes {dimension_semantics = [#tpu.dimension_semantics<core_parallel>, #tpu.dimension_semantics<subcore_parallel>], iteration_bounds = array<i64: 2, 16>, scalar_prefetch = 0 : i64, scratch_operands = 13 : i64, tpu.core_type = #tpu.core_type<sc_vector_subcore>, window_params = [{transform_indices = #map}, {transform_indices = #map1}, {transform_indices = #map1}, {transform_indices = #map}, {transform_indices = #map}, {transform_indices = #map}]} {
    %mul3A = arith.constant 2 : i32
    %mul3A_0 = arith.muli %arg1, %mul3A : i32
    %add3A = arith.addi %mul3A_0, %arg0 : i32
    %mul3A_1 = arith.constant 640 : i32
    %mul3A_2 = arith.muli %arg1, %mul3A_1 : i32
    "tpu.region"() ({
      %run_scoped3A = tpu.sem_alloc : memref<!tpu.dma_semaphore, #tpu.memory_space<semaphore_mem>>
      %dma_start3A_50 = arith.constant 0 : i32
      %dma_start3A_51 = tpu.memref_slice %arg15[%mul3A_2, %dma_start3A_50] : memref<10240x64xf32, #tpu.memory_space<vmem_shared>> -> memref<640x64xf32, #tpu.memory_space<vmem_shared>>
      tpu.enqueue_dma source(%arg5 : memref<640x64xf32, #tpu.memory_space<hbm>>) target(%dma_start3A_51 : memref<640x64xf32, #tpu.memory_space<vmem_shared>>) target_semaphore(%run_scoped3A : memref<!tpu.dma_semaphore, #tpu.memory_space<semaphore_mem>>)
      %dma_wait3A = arith.constant 0 : i32
      %dma_wait3A_52 = tpu.memref_slice %arg15[%mul3A_2, %dma_wait3A] : memref<10240x64xf32, #tpu.memory_space<vmem_shared>> -> memref<640x64xf32, #tpu.memory_space<vmem_shared>>
      tpu.wait_dma2 semaphore(%run_scoped3A : memref<!tpu.dma_semaphore, #tpu.memory_space<semaphore_mem>>) src(%arg5 : memref<640x64xf32, #tpu.memory_space<hbm>>) dst(%dma_wait3A_52 : memref<640x64xf32, #tpu.memory_space<vmem_shared>>)
      tpu.yield
    }) : () -> ()
    "tpu.region"() ({
      %run_scoped3A = tpu.sem_alloc : memref<!tpu.dma_semaphore, #tpu.memory_space<semaphore_mem>>
      %dma_start3A_50 = arith.constant 0 : i32
      %dma_start3A_51 = arith.constant 0 : i32
      %dma_start3A_52 = tpu.memref_slice %arg3[%add3A, %dma_start3A_50, %dma_start3A_51] : memref<32x125x80xi32, #tpu.memory_space<hbm>> -> memref<1x125x80xi32, #tpu.memory_space<hbm>>
      %dma_start3A_53 = tpu.memref_squeeze %dma_start3A_52 : memref<1x125x80xi32, #tpu.memory_space<hbm>> -> memref<125x80xi32, #tpu.memory_space<hbm>>
      %dma_start3A_54 = arith.constant 0 : i32
      %dma_start3A_55 = arith.constant 0 : i32
      %dma_start3A_56 = tpu.memref_slice %arg3[%add3A, %dma_start3A_54, %dma_start3A_55] : memref<32x125x80xi32, #tpu.memory_space<hbm>> -> memref<1x125x80xi32, #tpu.memory_space<hbm>>
      %dma_start3A_57 = tpu.memref_squeeze %dma_start3A_56 : memref<1x125x80xi32, #tpu.memory_space<hbm>> -> memref<125x80xi32, #tpu.memory_space<hbm>>
      tpu.enqueue_dma source(%dma_start3A_57 : memref<125x80xi32, #tpu.memory_space<hbm>>) target(%arg8 : memref<125x80xi32, #tpu.memory_space<vmem>>) target_semaphore(%run_scoped3A : memref<!tpu.dma_semaphore, #tpu.memory_space<semaphore_mem>>)
      %dma_wait3A = arith.constant 0 : i32
      %dma_wait3A_58 = arith.constant 0 : i32
      %dma_wait3A_59 = tpu.memref_slice %arg3[%add3A, %dma_wait3A, %dma_wait3A_58] : memref<32x125x80xi32, #tpu.memory_space<hbm>> -> memref<1x125x80xi32, #tpu.memory_space<hbm>>
      %dma_wait3A_60 = tpu.memref_squeeze %dma_wait3A_59 : memref<1x125x80xi32, #tpu.memory_space<hbm>> -> memref<125x80xi32, #tpu.memory_space<hbm>>
      %dma_wait3A_61 = arith.constant 0 : i32
      %dma_wait3A_62 = arith.constant 0 : i32
      %dma_wait3A_63 = tpu.memref_slice %arg3[%add3A, %dma_wait3A_61, %dma_wait3A_62] : memref<32x125x80xi32, #tpu.memory_space<hbm>> -> memref<1x125x80xi32, #tpu.memory_space<hbm>>
      %dma_wait3A_64 = tpu.memref_squeeze %dma_wait3A_63 : memref<1x125x80xi32, #tpu.memory_space<hbm>> -> memref<125x80xi32, #tpu.memory_space<hbm>>
      tpu.wait_dma2 semaphore(%run_scoped3A : memref<!tpu.dma_semaphore, #tpu.memory_space<semaphore_mem>>) src(%dma_wait3A_64 : memref<125x80xi32, #tpu.memory_space<hbm>>) dst(%arg8 : memref<125x80xi32, #tpu.memory_space<vmem>>)
      tpu.yield
    }) : () -> ()
    "tpu.region"() ({
      %run_scoped3A = tpu.sem_alloc : memref<!tpu.dma_semaphore, #tpu.memory_space<semaphore_mem>>
      %dma_start3A_50 = arith.constant 0 : i32
      %dma_start3A_51 = arith.constant 0 : i32
      %dma_start3A_52 = tpu.memref_slice %arg4[%add3A, %dma_start3A_50, %dma_start3A_51] : memref<32x125x80xi32, #tpu.memory_space<hbm>> -> memref<1x125x80xi32, #tpu.memory_space<hbm>>
      %dma_start3A_53 = tpu.memref_squeeze %dma_start3A_52 : memref<1x125x80xi32, #tpu.memory_space<hbm>> -> memref<125x80xi32, #tpu.memory_space<hbm>>
      %dma_start3A_54 = arith.constant 0 : i32
      %dma_start3A_55 = arith.constant 0 : i32
      %dma_start3A_56 = tpu.memref_slice %arg4[%add3A, %dma_start3A_54, %dma_start3A_55] : memref<32x125x80xi32, #tpu.memory_space<hbm>> -> memref<1x125x80xi32, #tpu.memory_space<hbm>>
      %dma_start3A_57 = tpu.memref_squeeze %dma_start3A_56 : memref<1x125x80xi32, #tpu.memory_space<hbm>> -> memref<125x80xi32, #tpu.memory_space<hbm>>
      tpu.enqueue_dma source(%dma_start3A_57 : memref<125x80xi32, #tpu.memory_space<hbm>>) target(%arg9 : memref<125x80xi32, #tpu.memory_space<vmem>>) target_semaphore(%run_scoped3A : memref<!tpu.dma_semaphore, #tpu.memory_space<semaphore_mem>>)
      %dma_wait3A = arith.constant 0 : i32
      %dma_wait3A_58 = arith.constant 0 : i32
      %dma_wait3A_59 = tpu.memref_slice %arg4[%add3A, %dma_wait3A, %dma_wait3A_58] : memref<32x125x80xi32, #tpu.memory_space<hbm>> -> memref<1x125x80xi32, #tpu.memory_space<hbm>>
      %dma_wait3A_60 = tpu.memref_squeeze %dma_wait3A_59 : memref<1x125x80xi32, #tpu.memory_space<hbm>> -> memref<125x80xi32, #tpu.memory_space<hbm>>
      %dma_wait3A_61 = arith.constant 0 : i32
      %dma_wait3A_62 = arith.constant 0 : i32
      %dma_wait3A_63 = tpu.memref_slice %arg4[%add3A, %dma_wait3A_61, %dma_wait3A_62] : memref<32x125x80xi32, #tpu.memory_space<hbm>> -> memref<1x125x80xi32, #tpu.memory_space<hbm>>
      %dma_wait3A_64 = tpu.memref_squeeze %dma_wait3A_63 : memref<1x125x80xi32, #tpu.memory_space<hbm>> -> memref<125x80xi32, #tpu.memory_space<hbm>>
      tpu.wait_dma2 semaphore(%run_scoped3A : memref<!tpu.dma_semaphore, #tpu.memory_space<semaphore_mem>>) src(%dma_wait3A_64 : memref<125x80xi32, #tpu.memory_space<hbm>>) dst(%arg9 : memref<125x80xi32, #tpu.memory_space<vmem>>)
      tpu.yield
    }) : () -> ()
    %dma_start3A = arith.constant 0 : i32
    %dma_start3A_3 = arith.constant 0 : i32
    %dma_start3A_4 = tpu.memref_slice %arg8[%dma_start3A, %dma_start3A_3] : memref<125x80xi32, #tpu.memory_space<vmem>> -> memref<1x80xi32, #tpu.memory_space<vmem>>
    %dma_start3A_5 = tpu.memref_squeeze %dma_start3A_4 : memref<1x80xi32, #tpu.memory_space<vmem>> -> memref<80xi32, #tpu.memory_space<vmem>>
    %dma_start3A_6 = arith.constant 0 : i32
    %dma_start3A_7 = arith.constant 0 : i32
    %dma_start3A_8 = tpu.memref_slice %arg2[%dma_start3A_6, %dma_start3A_7] : memref<10000x64xf32, #tpu.memory_space<hbm>> -> memref<10000x64xf32, #tpu.memory_space<hbm>>
    tpu.enqueue_indirect_dma source(%dma_start3A_8 : memref<10000x64xf32, #tpu.memory_space<hbm>>) target(%arg10 : memref<80x64xf32, #tpu.memory_space<vmem>>) offsets(%dma_start3A_5 : memref<80xi32, #tpu.memory_space<vmem>>) semaphore(%arg16 : memref<!tpu.dma_semaphore, #tpu.memory_space<semaphore_mem>>)
    %dma_start3A_9 = arith.constant 1 : i32
    %dma_start3A_10 = arith.constant 0 : i32
    %dma_start3A_11 = tpu.memref_slice %arg8[%dma_start3A_9, %dma_start3A_10] : memref<125x80xi32, #tpu.memory_space<vmem>> -> memref<1x80xi32, #tpu.memory_space<vmem>>
    %dma_start3A_12 = tpu.memref_squeeze %dma_start3A_11 : memref<1x80xi32, #tpu.memory_space<vmem>> -> memref<80xi32, #tpu.memory_space<vmem>>
    %dma_start3A_13 = arith.constant 0 : i32
    %dma_start3A_14 = arith.constant 0 : i32
    %dma_start3A_15 = tpu.memref_slice %arg2[%dma_start3A_13, %dma_start3A_14] : memref<10000x64xf32, #tpu.memory_space<hbm>> -> memref<10000x64xf32, #tpu.memory_space<hbm>>
    tpu.enqueue_indirect_dma source(%dma_start3A_15 : memref<10000x64xf32, #tpu.memory_space<hbm>>) target(%arg11 : memref<80x64xf32, #tpu.memory_space<vmem>>) offsets(%dma_start3A_12 : memref<80xi32, #tpu.memory_space<vmem>>) semaphore(%arg17 : memref<!tpu.dma_semaphore, #tpu.memory_space<semaphore_mem>>)
    %dma_start3A_16 = arith.constant 2 : i32
    %dma_start3A_17 = arith.constant 0 : i32
    %dma_start3A_18 = tpu.memref_slice %arg8[%dma_start3A_16, %dma_start3A_17] : memref<125x80xi32, #tpu.memory_space<vmem>> -> memref<1x80xi32, #tpu.memory_space<vmem>>
    %dma_start3A_19 = tpu.memref_squeeze %dma_start3A_18 : memref<1x80xi32, #tpu.memory_space<vmem>> -> memref<80xi32, #tpu.memory_space<vmem>>
    %dma_start3A_20 = arith.constant 0 : i32
    %dma_start3A_21 = arith.constant 0 : i32
    %dma_start3A_22 = tpu.memref_slice %arg2[%dma_start3A_20, %dma_start3A_21] : memref<10000x64xf32, #tpu.memory_space<hbm>> -> memref<10000x64xf32, #tpu.memory_space<hbm>>
    tpu.enqueue_indirect_dma source(%dma_start3A_22 : memref<10000x64xf32, #tpu.memory_space<hbm>>) target(%arg12 : memref<80x64xf32, #tpu.memory_space<vmem>>) offsets(%dma_start3A_19 : memref<80xi32, #tpu.memory_space<vmem>>) semaphore(%arg18 : memref<!tpu.dma_semaphore, #tpu.memory_space<semaphore_mem>>)
    %dma_start3A_23 = arith.constant 3 : i32
    %dma_start3A_24 = arith.constant 0 : i32
    %dma_start3A_25 = tpu.memref_slice %arg8[%dma_start3A_23, %dma_start3A_24] : memref<125x80xi32, #tpu.memory_space<vmem>> -> memref<1x80xi32, #tpu.memory_space<vmem>>
    %dma_start3A_26 = tpu.memref_squeeze %dma_start3A_25 : memref<1x80xi32, #tpu.memory_space<vmem>> -> memref<80xi32, #tpu.memory_space<vmem>>
    %dma_start3A_27 = arith.constant 0 : i32
    %dma_start3A_28 = arith.constant 0 : i32
    %dma_start3A_29 = tpu.memref_slice %arg2[%dma_start3A_27, %dma_start3A_28] : memref<10000x64xf32, #tpu.memory_space<hbm>> -> memref<10000x64xf32, #tpu.memory_space<hbm>>
    tpu.enqueue_indirect_dma source(%dma_start3A_29 : memref<10000x64xf32, #tpu.memory_space<hbm>>) target(%arg13 : memref<80x64xf32, #tpu.memory_space<vmem>>) offsets(%dma_start3A_26 : memref<80xi32, #tpu.memory_space<vmem>>) semaphore(%arg19 : memref<!tpu.dma_semaphore, #tpu.memory_space<semaphore_mem>>)
    %dma_start3A_30 = arith.constant 4 : i32
    %dma_start3A_31 = arith.constant 0 : i32
    %dma_start3A_32 = tpu.memref_slice %arg8[%dma_start3A_30, %dma_start3A_31] : memref<125x80xi32, #tpu.memory_space<vmem>> -> memref<1x80xi32, #tpu.memory_space<vmem>>
    %dma_start3A_33 = tpu.memref_squeeze %dma_start3A_32 : memref<1x80xi32, #tpu.memory_space<vmem>> -> memref<80xi32, #tpu.memory_space<vmem>>
    %dma_start3A_34 = arith.constant 0 : i32
    %dma_start3A_35 = arith.constant 0 : i32
    %dma_start3A_36 = tpu.memref_slice %arg2[%dma_start3A_34, %dma_start3A_35] : memref<10000x64xf32, #tpu.memory_space<hbm>> -> memref<10000x64xf32, #tpu.memory_space<hbm>>
    tpu.enqueue_indirect_dma source(%dma_start3A_36 : memref<10000x64xf32, #tpu.memory_space<hbm>>) target(%arg14 : memref<80x64xf32, #tpu.memory_space<vmem>>) offsets(%dma_start3A_33 : memref<80xi32, #tpu.memory_space<vmem>>) semaphore(%arg20 : memref<!tpu.dma_semaphore, #tpu.memory_space<semaphore_mem>>)
    %barrier3A = arith.constant 0 : index
    tpu.barrier barrier_id(%barrier3A)
    %scan3A = arith.constant 0 : i32
    %scan3A_37 = arith.constant 0 : i32
    %scan3A_38 = arith.constant 25 : i32
    %scan3A_39 = arith.addi %scan3A_37, %scan3A_38 : i32
    %scan3A_40 = arith.constant 1 : i32
    scf.for %scan3A_50 = %scan3A_37 to %scan3A_39 step %scan3A_40  : i32 {
      %mul3A_51 = arith.constant 5 : i32
      %mul3A_52 = arith.muli %scan3A_50, %mul3A_51 : i32
      %add3A_53 = arith.constant 0 : i32
      %add3A_54 = arith.addi %mul3A_52, %add3A_53 : i32
      %dma_wait3A = arith.constant 0 : i32
      %dma_wait3A_55 = tpu.memref_slice %arg8[%add3A_54, %dma_wait3A] : memref<125x80xi32, #tpu.memory_space<vmem>> -> memref<1x80xi32, #tpu.memory_space<vmem>>
      %dma_wait3A_56 = tpu.memref_squeeze %dma_wait3A_55 : memref<1x80xi32, #tpu.memory_space<vmem>> -> memref<80xi32, #tpu.memory_space<vmem>>
      %dma_wait3A_57 = arith.constant 0 : i32
      %dma_wait3A_58 = arith.constant 0 : i32
      %dma_wait3A_59 = tpu.memref_slice %arg2[%dma_wait3A_57, %dma_wait3A_58] : memref<10000x64xf32, #tpu.memory_space<hbm>> -> memref<10000x64xf32, #tpu.memory_space<hbm>>
      tpu.wait_indirect_dma semaphore(%arg16 : memref<!tpu.dma_semaphore, #tpu.memory_space<semaphore_mem>>) src(%dma_wait3A_59 : memref<10000x64xf32, #tpu.memory_space<hbm>>) dst(%arg10 : memref<80x64xf32, #tpu.memory_space<vmem>>)
      "tpu.region"() ({
        %run_scoped3A = tpu.sem_alloc : memref<!tpu.dma_semaphore, #tpu.memory_space<semaphore_mem>>
        %dma_start3A_126 = arith.constant 0 : i32
        %dma_start3A_127 = tpu.memref_slice %arg9[%add3A_54, %dma_start3A_126] : memref<125x80xi32, #tpu.memory_space<vmem>> -> memref<1x80xi32, #tpu.memory_space<vmem>>
        %dma_start3A_128 = tpu.memref_squeeze %dma_start3A_127 : memref<1x80xi32, #tpu.memory_space<vmem>> -> memref<80xi32, #tpu.memory_space<vmem>>
        %dma_start3A_129 = arith.constant 0 : i32
        %dma_start3A_130 = arith.constant 0 : i32
        %dma_start3A_131 = tpu.memref_slice %arg15[%dma_start3A_129, %dma_start3A_130] : memref<10240x64xf32, #tpu.memory_space<vmem_shared>> -> memref<10240x64xf32, #tpu.memory_space<vmem_shared>>
        tpu.enqueue_indirect_dma source(%arg10 : memref<80x64xf32, #tpu.memory_space<vmem>>) target(%dma_start3A_131 : memref<10240x64xf32, #tpu.memory_space<vmem_shared>>) offsets(%dma_start3A_128 : memref<80xi32, #tpu.memory_space<vmem>>) semaphore(%run_scoped3A : memref<!tpu.dma_semaphore, #tpu.memory_space<semaphore_mem>>) {add = true}
        %dma_wait3A_132 = arith.constant 0 : i32
        %dma_wait3A_133 = tpu.memref_slice %arg9[%add3A_54, %dma_wait3A_132] : memref<125x80xi32, #tpu.memory_space<vmem>> -> memref<1x80xi32, #tpu.memory_space<vmem>>
        %dma_wait3A_134 = tpu.memref_squeeze %dma_wait3A_133 : memref<1x80xi32, #tpu.memory_space<vmem>> -> memref<80xi32, #tpu.memory_space<vmem>>
        %dma_wait3A_135 = arith.constant 0 : i32
        %dma_wait3A_136 = arith.constant 0 : i32
        %dma_wait3A_137 = tpu.memref_slice %arg15[%dma_wait3A_135, %dma_wait3A_136] : memref<10240x64xf32, #tpu.memory_space<vmem_shared>> -> memref<10240x64xf32, #tpu.memory_space<vmem_shared>>
        tpu.wait_indirect_dma semaphore(%run_scoped3A : memref<!tpu.dma_semaphore, #tpu.memory_space<semaphore_mem>>) src(%arg10 : memref<80x64xf32, #tpu.memory_space<vmem>>) dst(%dma_wait3A_137 : memref<10240x64xf32, #tpu.memory_space<vmem_shared>>)
        tpu.yield
      }) : () -> ()
      %add3A_60 = arith.constant 5 : i32
      %add3A_61 = arith.addi %add3A_54, %add3A_60 : i32
      %lt3A = arith.constant 125 : i32
      %lt3A_62 = arith.cmpi slt, %add3A_61, %lt3A : i32
      %convert_element_type3A_63 = arith.extui %lt3A_62 : i1 to i32
      %cond3A_64 = arith.constant 0 : i32
      %cond3A_65 = arith.cmpi ne, %convert_element_type3A_63, %cond3A_64 : i32
      scf.if %cond3A_65 {
        %add3A_126 = arith.constant 5 : i32
        %add3A_127 = arith.addi %add3A_54, %add3A_126 : i32
        %dma_start3A_128 = arith.constant 0 : i32
        %dma_start3A_129 = tpu.memref_slice %arg8[%add3A_127, %dma_start3A_128] : memref<125x80xi32, #tpu.memory_space<vmem>> -> memref<1x80xi32, #tpu.memory_space<vmem>>
        %dma_start3A_130 = tpu.memref_squeeze %dma_start3A_129 : memref<1x80xi32, #tpu.memory_space<vmem>> -> memref<80xi32, #tpu.memory_space<vmem>>
        %dma_start3A_131 = arith.constant 0 : i32
        %dma_start3A_132 = arith.constant 0 : i32
        %dma_start3A_133 = tpu.memref_slice %arg2[%dma_start3A_131, %dma_start3A_132] : memref<10000x64xf32, #tpu.memory_space<hbm>> -> memref<10000x64xf32, #tpu.memory_space<hbm>>
        tpu.enqueue_indirect_dma source(%dma_start3A_133 : memref<10000x64xf32, #tpu.memory_space<hbm>>) target(%arg10 : memref<80x64xf32, #tpu.memory_space<vmem>>) offsets(%dma_start3A_130 : memref<80xi32, #tpu.memory_space<vmem>>) semaphore(%arg16 : memref<!tpu.dma_semaphore, #tpu.memory_space<semaphore_mem>>)
      } else {
      }
      %add3A_66 = arith.constant 1 : i32
      %add3A_67 = arith.addi %mul3A_52, %add3A_66 : i32
      %dma_wait3A_68 = arith.constant 0 : i32
      %dma_wait3A_69 = tpu.memref_slice %arg8[%add3A_67, %dma_wait3A_68] : memref<125x80xi32, #tpu.memory_space<vmem>> -> memref<1x80xi32, #tpu.memory_space<vmem>>
      %dma_wait3A_70 = tpu.memref_squeeze %dma_wait3A_69 : memref<1x80xi32, #tpu.memory_space<vmem>> -> memref<80xi32, #tpu.memory_space<vmem>>
      %dma_wait3A_71 = arith.constant 0 : i32
      %dma_wait3A_72 = arith.constant 0 : i32
      %dma_wait3A_73 = tpu.memref_slice %arg2[%dma_wait3A_71, %dma_wait3A_72] : memref<10000x64xf32, #tpu.memory_space<hbm>> -> memref<10000x64xf32, #tpu.memory_space<hbm>>
      tpu.wait_indirect_dma semaphore(%arg17 : memref<!tpu.dma_semaphore, #tpu.memory_space<semaphore_mem>>) src(%dma_wait3A_73 : memref<10000x64xf32, #tpu.memory_space<hbm>>) dst(%arg11 : memref<80x64xf32, #tpu.memory_space<vmem>>)
      "tpu.region"() ({
        %run_scoped3A = tpu.sem_alloc : memref<!tpu.dma_semaphore, #tpu.memory_space<semaphore_mem>>
        %dma_start3A_126 = arith.constant 0 : i32
        %dma_start3A_127 = tpu.memref_slice %arg9[%add3A_67, %dma_start3A_126] : memref<125x80xi32, #tpu.memory_space<vmem>> -> memref<1x80xi32, #tpu.memory_space<vmem>>
        %dma_start3A_128 = tpu.memref_squeeze %dma_start3A_127 : memref<1x80xi32, #tpu.memory_space<vmem>> -> memref<80xi32, #tpu.memory_space<vmem>>
        %dma_start3A_129 = arith.constant 0 : i32
        %dma_start3A_130 = arith.constant 0 : i32
        %dma_start3A_131 = tpu.memref_slice %arg15[%dma_start3A_129, %dma_start3A_130] : memref<10240x64xf32, #tpu.memory_space<vmem_shared>> -> memref<10240x64xf32, #tpu.memory_space<vmem_shared>>
        tpu.enqueue_indirect_dma source(%arg11 : memref<80x64xf32, #tpu.memory_space<vmem>>) target(%dma_start3A_131 : memref<10240x64xf32, #tpu.memory_space<vmem_shared>>) offsets(%dma_start3A_128 : memref<80xi32, #tpu.memory_space<vmem>>) semaphore(%run_scoped3A : memref<!tpu.dma_semaphore, #tpu.memory_space<semaphore_mem>>) {add = true}
        %dma_wait3A_132 = arith.constant 0 : i32
        %dma_wait3A_133 = tpu.memref_slice %arg9[%add3A_67, %dma_wait3A_132] : memref<125x80xi32, #tpu.memory_space<vmem>> -> memref<1x80xi32, #tpu.memory_space<vmem>>
        %dma_wait3A_134 = tpu.memref_squeeze %dma_wait3A_133 : memref<1x80xi32, #tpu.memory_space<vmem>> -> memref<80xi32, #tpu.memory_space<vmem>>
        %dma_wait3A_135 = arith.constant 0 : i32
        %dma_wait3A_136 = arith.constant 0 : i32
        %dma_wait3A_137 = tpu.memref_slice %arg15[%dma_wait3A_135, %dma_wait3A_136] : memref<10240x64xf32, #tpu.memory_space<vmem_shared>> -> memref<10240x64xf32, #tpu.memory_space<vmem_shared>>
        tpu.wait_indirect_dma semaphore(%run_scoped3A : memref<!tpu.dma_semaphore, #tpu.memory_space<semaphore_mem>>) src(%arg11 : memref<80x64xf32, #tpu.memory_space<vmem>>) dst(%dma_wait3A_137 : memref<10240x64xf32, #tpu.memory_space<vmem_shared>>)
        tpu.yield
      }) : () -> ()
      %add3A_74 = arith.constant 5 : i32
      %add3A_75 = arith.addi %add3A_67, %add3A_74 : i32
      %lt3A_76 = arith.constant 125 : i32
      %lt3A_77 = arith.cmpi slt, %add3A_75, %lt3A_76 : i32
      %convert_element_type3A_78 = arith.extui %lt3A_77 : i1 to i32
      %cond3A_79 = arith.constant 0 : i32
      %cond3A_80 = arith.cmpi ne, %convert_element_type3A_78, %cond3A_79 : i32
      scf.if %cond3A_80 {
        %add3A_126 = arith.constant 5 : i32
        %add3A_127 = arith.addi %add3A_67, %add3A_126 : i32
        %dma_start3A_128 = arith.constant 0 : i32
        %dma_start3A_129 = tpu.memref_slice %arg8[%add3A_127, %dma_start3A_128] : memref<125x80xi32, #tpu.memory_space<vmem>> -> memref<1x80xi32, #tpu.memory_space<vmem>>
        %dma_start3A_130 = tpu.memref_squeeze %dma_start3A_129 : memref<1x80xi32, #tpu.memory_space<vmem>> -> memref<80xi32, #tpu.memory_space<vmem>>
        %dma_start3A_131 = arith.constant 0 : i32
        %dma_start3A_132 = arith.constant 0 : i32
        %dma_start3A_133 = tpu.memref_slice %arg2[%dma_start3A_131, %dma_start3A_132] : memref<10000x64xf32, #tpu.memory_space<hbm>> -> memref<10000x64xf32, #tpu.memory_space<hbm>>
        tpu.enqueue_indirect_dma source(%dma_start3A_133 : memref<10000x64xf32, #tpu.memory_space<hbm>>) target(%arg11 : memref<80x64xf32, #tpu.memory_space<vmem>>) offsets(%dma_start3A_130 : memref<80xi32, #tpu.memory_space<vmem>>) semaphore(%arg17 : memref<!tpu.dma_semaphore, #tpu.memory_space<semaphore_mem>>)
      } else {
      }
      %add3A_81 = arith.constant 2 : i32
      %add3A_82 = arith.addi %mul3A_52, %add3A_81 : i32
      %dma_wait3A_83 = arith.constant 0 : i32
      %dma_wait3A_84 = tpu.memref_slice %arg8[%add3A_82, %dma_wait3A_83] : memref<125x80xi32, #tpu.memory_space<vmem>> -> memref<1x80xi32, #tpu.memory_space<vmem>>
      %dma_wait3A_85 = tpu.memref_squeeze %dma_wait3A_84 : memref<1x80xi32, #tpu.memory_space<vmem>> -> memref<80xi32, #tpu.memory_space<vmem>>
      %dma_wait3A_86 = arith.constant 0 : i32
      %dma_wait3A_87 = arith.constant 0 : i32
      %dma_wait3A_88 = tpu.memref_slice %arg2[%dma_wait3A_86, %dma_wait3A_87] : memref<10000x64xf32, #tpu.memory_space<hbm>> -> memref<10000x64xf32, #tpu.memory_space<hbm>>
      tpu.wait_indirect_dma semaphore(%arg18 : memref<!tpu.dma_semaphore, #tpu.memory_space<semaphore_mem>>) src(%dma_wait3A_88 : memref<10000x64xf32, #tpu.memory_space<hbm>>) dst(%arg12 : memref<80x64xf32, #tpu.memory_space<vmem>>)
      "tpu.region"() ({
        %run_scoped3A = tpu.sem_alloc : memref<!tpu.dma_semaphore, #tpu.memory_space<semaphore_mem>>
        %dma_start3A_126 = arith.constant 0 : i32
        %dma_start3A_127 = tpu.memref_slice %arg9[%add3A_82, %dma_start3A_126] : memref<125x80xi32, #tpu.memory_space<vmem>> -> memref<1x80xi32, #tpu.memory_space<vmem>>
        %dma_start3A_128 = tpu.memref_squeeze %dma_start3A_127 : memref<1x80xi32, #tpu.memory_space<vmem>> -> memref<80xi32, #tpu.memory_space<vmem>>
        %dma_start3A_129 = arith.constant 0 : i32
        %dma_start3A_130 = arith.constant 0 : i32
        %dma_start3A_131 = tpu.memref_slice %arg15[%dma_start3A_129, %dma_start3A_130] : memref<10240x64xf32, #tpu.memory_space<vmem_shared>> -> memref<10240x64xf32, #tpu.memory_space<vmem_shared>>
        tpu.enqueue_indirect_dma source(%arg12 : memref<80x64xf32, #tpu.memory_space<vmem>>) target(%dma_start3A_131 : memref<10240x64xf32, #tpu.memory_space<vmem_shared>>) offsets(%dma_start3A_128 : memref<80xi32, #tpu.memory_space<vmem>>) semaphore(%run_scoped3A : memref<!tpu.dma_semaphore, #tpu.memory_space<semaphore_mem>>) {add = true}
        %dma_wait3A_132 = arith.constant 0 : i32
        %dma_wait3A_133 = tpu.memref_slice %arg9[%add3A_82, %dma_wait3A_132] : memref<125x80xi32, #tpu.memory_space<vmem>> -> memref<1x80xi32, #tpu.memory_space<vmem>>
        %dma_wait3A_134 = tpu.memref_squeeze %dma_wait3A_133 : memref<1x80xi32, #tpu.memory_space<vmem>> -> memref<80xi32, #tpu.memory_space<vmem>>
        %dma_wait3A_135 = arith.constant 0 : i32
        %dma_wait3A_136 = arith.constant 0 : i32
        %dma_wait3A_137 = tpu.memref_slice %arg15[%dma_wait3A_135, %dma_wait3A_136] : memref<10240x64xf32, #tpu.memory_space<vmem_shared>> -> memref<10240x64xf32, #tpu.memory_space<vmem_shared>>
        tpu.wait_indirect_dma semaphore(%run_scoped3A : memref<!tpu.dma_semaphore, #tpu.memory_space<semaphore_mem>>) src(%arg12 : memref<80x64xf32, #tpu.memory_space<vmem>>) dst(%dma_wait3A_137 : memref<10240x64xf32, #tpu.memory_space<vmem_shared>>)
        tpu.yield
      }) : () -> ()
      %add3A_89 = arith.constant 5 : i32
      %add3A_90 = arith.addi %add3A_82, %add3A_89 : i32
      %lt3A_91 = arith.constant 125 : i32
      %lt3A_92 = arith.cmpi slt, %add3A_90, %lt3A_91 : i32
      %convert_element_type3A_93 = arith.extui %lt3A_92 : i1 to i32
      %cond3A_94 = arith.constant 0 : i32
      %cond3A_95 = arith.cmpi ne, %convert_element_type3A_93, %cond3A_94 : i32
      scf.if %cond3A_95 {
        %add3A_126 = arith.constant 5 : i32
        %add3A_127 = arith.addi %add3A_82, %add3A_126 : i32
        %dma_start3A_128 = arith.constant 0 : i32
        %dma_start3A_129 = tpu.memref_slice %arg8[%add3A_127, %dma_start3A_128] : memref<125x80xi32, #tpu.memory_space<vmem>> -> memref<1x80xi32, #tpu.memory_space<vmem>>
        %dma_start3A_130 = tpu.memref_squeeze %dma_start3A_129 : memref<1x80xi32, #tpu.memory_space<vmem>> -> memref<80xi32, #tpu.memory_space<vmem>>
        %dma_start3A_131 = arith.constant 0 : i32
        %dma_start3A_132 = arith.constant 0 : i32
        %dma_start3A_133 = tpu.memref_slice %arg2[%dma_start3A_131, %dma_start3A_132] : memref<10000x64xf32, #tpu.memory_space<hbm>> -> memref<10000x64xf32, #tpu.memory_space<hbm>>
        tpu.enqueue_indirect_dma source(%dma_start3A_133 : memref<10000x64xf32, #tpu.memory_space<hbm>>) target(%arg12 : memref<80x64xf32, #tpu.memory_space<vmem>>) offsets(%dma_start3A_130 : memref<80xi32, #tpu.memory_space<vmem>>) semaphore(%arg18 : memref<!tpu.dma_semaphore, #tpu.memory_space<semaphore_mem>>)
      } else {
      }
      %add3A_96 = arith.constant 3 : i32
      %add3A_97 = arith.addi %mul3A_52, %add3A_96 : i32
      %dma_wait3A_98 = arith.constant 0 : i32
      %dma_wait3A_99 = tpu.memref_slice %arg8[%add3A_97, %dma_wait3A_98] : memref<125x80xi32, #tpu.memory_space<vmem>> -> memref<1x80xi32, #tpu.memory_space<vmem>>
      %dma_wait3A_100 = tpu.memref_squeeze %dma_wait3A_99 : memref<1x80xi32, #tpu.memory_space<vmem>> -> memref<80xi32, #tpu.memory_space<vmem>>
      %dma_wait3A_101 = arith.constant 0 : i32
      %dma_wait3A_102 = arith.constant 0 : i32
      %dma_wait3A_103 = tpu.memref_slice %arg2[%dma_wait3A_101, %dma_wait3A_102] : memref<10000x64xf32, #tpu.memory_space<hbm>> -> memref<10000x64xf32, #tpu.memory_space<hbm>>
      tpu.wait_indirect_dma semaphore(%arg19 : memref<!tpu.dma_semaphore, #tpu.memory_space<semaphore_mem>>) src(%dma_wait3A_103 : memref<10000x64xf32, #tpu.memory_space<hbm>>) dst(%arg13 : memref<80x64xf32, #tpu.memory_space<vmem>>)
      "tpu.region"() ({
        %run_scoped3A = tpu.sem_alloc : memref<!tpu.dma_semaphore, #tpu.memory_space<semaphore_mem>>
        %dma_start3A_126 = arith.constant 0 : i32
        %dma_start3A_127 = tpu.memref_slice %arg9[%add3A_97, %dma_start3A_126] : memref<125x80xi32, #tpu.memory_space<vmem>> -> memref<1x80xi32, #tpu.memory_space<vmem>>
        %dma_start3A_128 = tpu.memref_squeeze %dma_start3A_127 : memref<1x80xi32, #tpu.memory_space<vmem>> -> memref<80xi32, #tpu.memory_space<vmem>>
        %dma_start3A_129 = arith.constant 0 : i32
        %dma_start3A_130 = arith.constant 0 : i32
        %dma_start3A_131 = tpu.memref_slice %arg15[%dma_start3A_129, %dma_start3A_130] : memref<10240x64xf32, #tpu.memory_space<vmem_shared>> -> memref<10240x64xf32, #tpu.memory_space<vmem_shared>>
        tpu.enqueue_indirect_dma source(%arg13 : memref<80x64xf32, #tpu.memory_space<vmem>>) target(%dma_start3A_131 : memref<10240x64xf32, #tpu.memory_space<vmem_shared>>) offsets(%dma_start3A_128 : memref<80xi32, #tpu.memory_space<vmem>>) semaphore(%run_scoped3A : memref<!tpu.dma_semaphore, #tpu.memory_space<semaphore_mem>>) {add = true}
        %dma_wait3A_132 = arith.constant 0 : i32
        %dma_wait3A_133 = tpu.memref_slice %arg9[%add3A_97, %dma_wait3A_132] : memref<125x80xi32, #tpu.memory_space<vmem>> -> memref<1x80xi32, #tpu.memory_space<vmem>>
        %dma_wait3A_134 = tpu.memref_squeeze %dma_wait3A_133 : memref<1x80xi32, #tpu.memory_space<vmem>> -> memref<80xi32, #tpu.memory_space<vmem>>
        %dma_wait3A_135 = arith.constant 0 : i32
        %dma_wait3A_136 = arith.constant 0 : i32
        %dma_wait3A_137 = tpu.memref_slice %arg15[%dma_wait3A_135, %dma_wait3A_136] : memref<10240x64xf32, #tpu.memory_space<vmem_shared>> -> memref<10240x64xf32, #tpu.memory_space<vmem_shared>>
        tpu.wait_indirect_dma semaphore(%run_scoped3A : memref<!tpu.dma_semaphore, #tpu.memory_space<semaphore_mem>>) src(%arg13 : memref<80x64xf32, #tpu.memory_space<vmem>>) dst(%dma_wait3A_137 : memref<10240x64xf32, #tpu.memory_space<vmem_shared>>)
        tpu.yield
      }) : () -> ()
      %add3A_104 = arith.constant 5 : i32
      %add3A_105 = arith.addi %add3A_97, %add3A_104 : i32
      %lt3A_106 = arith.constant 125 : i32
      %lt3A_107 = arith.cmpi slt, %add3A_105, %lt3A_106 : i32
      %convert_element_type3A_108 = arith.extui %lt3A_107 : i1 to i32
      %cond3A_109 = arith.constant 0 : i32
      %cond3A_110 = arith.cmpi ne, %convert_element_type3A_108, %cond3A_109 : i32
      scf.if %cond3A_110 {
        %add3A_126 = arith.constant 5 : i32
        %add3A_127 = arith.addi %add3A_97, %add3A_126 : i32
        %dma_start3A_128 = arith.constant 0 : i32
        %dma_start3A_129 = tpu.memref_slice %arg8[%add3A_127, %dma_start3A_128] : memref<125x80xi32, #tpu.memory_space<vmem>> -> memref<1x80xi32, #tpu.memory_space<vmem>>
        %dma_start3A_130 = tpu.memref_squeeze %dma_start3A_129 : memref<1x80xi32, #tpu.memory_space<vmem>> -> memref<80xi32, #tpu.memory_space<vmem>>
        %dma_start3A_131 = arith.constant 0 : i32
        %dma_start3A_132 = arith.constant 0 : i32
        %dma_start3A_133 = tpu.memref_slice %arg2[%dma_start3A_131, %dma_start3A_132] : memref<10000x64xf32, #tpu.memory_space<hbm>> -> memref<10000x64xf32, #tpu.memory_space<hbm>>
        tpu.enqueue_indirect_dma source(%dma_start3A_133 : memref<10000x64xf32, #tpu.memory_space<hbm>>) target(%arg13 : memref<80x64xf32, #tpu.memory_space<vmem>>) offsets(%dma_start3A_130 : memref<80xi32, #tpu.memory_space<vmem>>) semaphore(%arg19 : memref<!tpu.dma_semaphore, #tpu.memory_space<semaphore_mem>>)
      } else {
      }
      %add3A_111 = arith.constant 4 : i32
      %add3A_112 = arith.addi %mul3A_52, %add3A_111 : i32
      %dma_wait3A_113 = arith.constant 0 : i32
      %dma_wait3A_114 = tpu.memref_slice %arg8[%add3A_112, %dma_wait3A_113] : memref<125x80xi32, #tpu.memory_space<vmem>> -> memref<1x80xi32, #tpu.memory_space<vmem>>
      %dma_wait3A_115 = tpu.memref_squeeze %dma_wait3A_114 : memref<1x80xi32, #tpu.memory_space<vmem>> -> memref<80xi32, #tpu.memory_space<vmem>>
      %dma_wait3A_116 = arith.constant 0 : i32
      %dma_wait3A_117 = arith.constant 0 : i32
      %dma_wait3A_118 = tpu.memref_slice %arg2[%dma_wait3A_116, %dma_wait3A_117] : memref<10000x64xf32, #tpu.memory_space<hbm>> -> memref<10000x64xf32, #tpu.memory_space<hbm>>
      tpu.wait_indirect_dma semaphore(%arg20 : memref<!tpu.dma_semaphore, #tpu.memory_space<semaphore_mem>>) src(%dma_wait3A_118 : memref<10000x64xf32, #tpu.memory_space<hbm>>) dst(%arg14 : memref<80x64xf32, #tpu.memory_space<vmem>>)
      "tpu.region"() ({
        %run_scoped3A = tpu.sem_alloc : memref<!tpu.dma_semaphore, #tpu.memory_space<semaphore_mem>>
        %dma_start3A_126 = arith.constant 0 : i32
        %dma_start3A_127 = tpu.memref_slice %arg9[%add3A_112, %dma_start3A_126] : memref<125x80xi32, #tpu.memory_space<vmem>> -> memref<1x80xi32, #tpu.memory_space<vmem>>
        %dma_start3A_128 = tpu.memref_squeeze %dma_start3A_127 : memref<1x80xi32, #tpu.memory_space<vmem>> -> memref<80xi32, #tpu.memory_space<vmem>>
        %dma_start3A_129 = arith.constant 0 : i32
        %dma_start3A_130 = arith.constant 0 : i32
        %dma_start3A_131 = tpu.memref_slice %arg15[%dma_start3A_129, %dma_start3A_130] : memref<10240x64xf32, #tpu.memory_space<vmem_shared>> -> memref<10240x64xf32, #tpu.memory_space<vmem_shared>>
        tpu.enqueue_indirect_dma source(%arg14 : memref<80x64xf32, #tpu.memory_space<vmem>>) target(%dma_start3A_131 : memref<10240x64xf32, #tpu.memory_space<vmem_shared>>) offsets(%dma_start3A_128 : memref<80xi32, #tpu.memory_space<vmem>>) semaphore(%run_scoped3A : memref<!tpu.dma_semaphore, #tpu.memory_space<semaphore_mem>>) {add = true}
        %dma_wait3A_132 = arith.constant 0 : i32
        %dma_wait3A_133 = tpu.memref_slice %arg9[%add3A_112, %dma_wait3A_132] : memref<125x80xi32, #tpu.memory_space<vmem>> -> memref<1x80xi32, #tpu.memory_space<vmem>>
        %dma_wait3A_134 = tpu.memref_squeeze %dma_wait3A_133 : memref<1x80xi32, #tpu.memory_space<vmem>> -> memref<80xi32, #tpu.memory_space<vmem>>
        %dma_wait3A_135 = arith.constant 0 : i32
        %dma_wait3A_136 = arith.constant 0 : i32
        %dma_wait3A_137 = tpu.memref_slice %arg15[%dma_wait3A_135, %dma_wait3A_136] : memref<10240x64xf32, #tpu.memory_space<vmem_shared>> -> memref<10240x64xf32, #tpu.memory_space<vmem_shared>>
        tpu.wait_indirect_dma semaphore(%run_scoped3A : memref<!tpu.dma_semaphore, #tpu.memory_space<semaphore_mem>>) src(%arg14 : memref<80x64xf32, #tpu.memory_space<vmem>>) dst(%dma_wait3A_137 : memref<10240x64xf32, #tpu.memory_space<vmem_shared>>)
        tpu.yield
      }) : () -> ()
      %add3A_119 = arith.constant 5 : i32
      %add3A_120 = arith.addi %add3A_112, %add3A_119 : i32
      %lt3A_121 = arith.constant 125 : i32
      %lt3A_122 = arith.cmpi slt, %add3A_120, %lt3A_121 : i32
      %convert_element_type3A_123 = arith.extui %lt3A_122 : i1 to i32
      %cond3A_124 = arith.constant 0 : i32
      %cond3A_125 = arith.cmpi ne, %convert_element_type3A_123, %cond3A_124 : i32
      scf.if %cond3A_125 {
        %add3A_126 = arith.constant 5 : i32
        %add3A_127 = arith.addi %add3A_112, %add3A_126 : i32
        %dma_start3A_128 = arith.constant 0 : i32
        %dma_start3A_129 = tpu.memref_slice %arg8[%add3A_127, %dma_start3A_128] : memref<125x80xi32, #tpu.memory_space<vmem>> -> memref<1x80xi32, #tpu.memory_space<vmem>>
        %dma_start3A_130 = tpu.memref_squeeze %dma_start3A_129 : memref<1x80xi32, #tpu.memory_space<vmem>> -> memref<80xi32, #tpu.memory_space<vmem>>
        %dma_start3A_131 = arith.constant 0 : i32
        %dma_start3A_132 = arith.constant 0 : i32
        %dma_start3A_133 = tpu.memref_slice %arg2[%dma_start3A_131, %dma_start3A_132] : memref<10000x64xf32, #tpu.memory_space<hbm>> -> memref<10000x64xf32, #tpu.memory_space<hbm>>
        tpu.enqueue_indirect_dma source(%dma_start3A_133 : memref<10000x64xf32, #tpu.memory_space<hbm>>) target(%arg14 : memref<80x64xf32, #tpu.memory_space<vmem>>) offsets(%dma_start3A_130 : memref<80xi32, #tpu.memory_space<vmem>>) semaphore(%arg20 : memref<!tpu.dma_semaphore, #tpu.memory_space<semaphore_mem>>)
      } else {
      }
    }
    %scan3A_41 = arith.constant 25 : i32
    %barrier3A_42 = arith.constant 0 : index
    tpu.barrier barrier_id(%barrier3A_42)
    %eq3A = arith.constant 0 : i32
    %eq3A_43 = arith.cmpi eq, %arg0, %eq3A : i32
    %convert_element_type3A = arith.extui %eq3A_43 : i1 to i32
    %cond3A = arith.constant 0 : i32
    %cond3A_44 = arith.cmpi ne, %convert_element_type3A, %cond3A : i32
    scf.if %cond3A_44 {
      %mul3A_50 = arith.constant 640 : i32
      %mul3A_51 = arith.muli %arg1, %mul3A_50 : i32
      %mul3A_52 = arith.constant 640 : i32
      %mul3A_53 = arith.muli %arg1, %mul3A_52 : i32
      "tpu.region"() ({
        %run_scoped3A = tpu.sem_alloc : memref<!tpu.dma_semaphore, #tpu.memory_space<semaphore_mem>>
        %dma_start3A_54 = arith.constant 0 : i32
        %dma_start3A_55 = tpu.memref_slice %arg6[%mul3A_53, %dma_start3A_54] : memref<10240x64xf32, #tpu.memory_space<hbm>> -> memref<640x64xf32, #tpu.memory_space<hbm>>
        %dma_start3A_56 = arith.constant 0 : i32
        %dma_start3A_57 = tpu.memref_slice %arg15[%mul3A_51, %dma_start3A_56] : memref<10240x64xf32, #tpu.memory_space<vmem_shared>> -> memref<640x64xf32, #tpu.memory_space<vmem_shared>>
        tpu.enqueue_dma source(%dma_start3A_57 : memref<640x64xf32, #tpu.memory_space<vmem_shared>>) target(%dma_start3A_55 : memref<640x64xf32, #tpu.memory_space<hbm>>) target_semaphore(%run_scoped3A : memref<!tpu.dma_semaphore, #tpu.memory_space<semaphore_mem>>)
        %dma_wait3A = arith.constant 0 : i32
        %dma_wait3A_58 = tpu.memref_slice %arg6[%mul3A_53, %dma_wait3A] : memref<10240x64xf32, #tpu.memory_space<hbm>> -> memref<640x64xf32, #tpu.memory_space<hbm>>
        %dma_wait3A_59 = arith.constant 0 : i32
        %dma_wait3A_60 = tpu.memref_slice %arg15[%mul3A_51, %dma_wait3A_59] : memref<10240x64xf32, #tpu.memory_space<vmem_shared>> -> memref<640x64xf32, #tpu.memory_space<vmem_shared>>
        tpu.wait_dma2 semaphore(%run_scoped3A : memref<!tpu.dma_semaphore, #tpu.memory_space<semaphore_mem>>) src(%dma_wait3A_60 : memref<640x64xf32, #tpu.memory_space<vmem_shared>>) dst(%dma_wait3A_58 : memref<640x64xf32, #tpu.memory_space<hbm>>)
        tpu.yield
      }) : () -> ()
    } else {
    }
    %eq3A_45 = arith.constant 1 : i32
    %eq3A_46 = arith.cmpi eq, %arg0, %eq3A_45 : i32
    %convert_element_type3A_47 = arith.extui %eq3A_46 : i1 to i32
    %cond3A_48 = arith.constant 0 : i32
    %cond3A_49 = arith.cmpi ne, %convert_element_type3A_47, %cond3A_48 : i32
    scf.if %cond3A_49 {
      %mul3A_50 = arith.constant 640 : i32
      %mul3A_51 = arith.muli %arg1, %mul3A_50 : i32
      %mul3A_52 = arith.constant 640 : i32
      %mul3A_53 = arith.muli %arg1, %mul3A_52 : i32
      "tpu.region"() ({
        %run_scoped3A = tpu.sem_alloc : memref<!tpu.dma_semaphore, #tpu.memory_space<semaphore_mem>>
        %dma_start3A_54 = arith.constant 0 : i32
        %dma_start3A_55 = tpu.memref_slice %arg7[%mul3A_53, %dma_start3A_54] : memref<10240x64xf32, #tpu.memory_space<hbm>> -> memref<640x64xf32, #tpu.memory_space<hbm>>
        %dma_start3A_56 = arith.constant 0 : i32
        %dma_start3A_57 = tpu.memref_slice %arg15[%mul3A_51, %dma_start3A_56] : memref<10240x64xf32, #tpu.memory_space<vmem_shared>> -> memref<640x64xf32, #tpu.memory_space<vmem_shared>>
        tpu.enqueue_dma source(%dma_start3A_57 : memref<640x64xf32, #tpu.memory_space<vmem_shared>>) target(%dma_start3A_55 : memref<640x64xf32, #tpu.memory_space<hbm>>) target_semaphore(%run_scoped3A : memref<!tpu.dma_semaphore, #tpu.memory_space<semaphore_mem>>)
        %dma_wait3A = arith.constant 0 : i32
        %dma_wait3A_58 = tpu.memref_slice %arg7[%mul3A_53, %dma_wait3A] : memref<10240x64xf32, #tpu.memory_space<hbm>> -> memref<640x64xf32, #tpu.memory_space<hbm>>
        %dma_wait3A_59 = arith.constant 0 : i32
        %dma_wait3A_60 = tpu.memref_slice %arg15[%mul3A_51, %dma_wait3A_59] : memref<10240x64xf32, #tpu.memory_space<vmem_shared>> -> memref<640x64xf32, #tpu.memory_space<vmem_shared>>
        tpu.wait_dma2 semaphore(%run_scoped3A : memref<!tpu.dma_semaphore, #tpu.memory_space<semaphore_mem>>) src(%dma_wait3A_60 : memref<640x64xf32, #tpu.memory_space<vmem_shared>>) dst(%dma_wait3A_58 : memref<640x64xf32, #tpu.memory_space<hbm>>)
        tpu.yield
      }) : () -> ()
    } else {
    }
    return
  }
}

module attributes {stable_mosaic.version = 14 : i64} {
  func.func @_mm1_body(%arg0: i32, %arg1: memref<1000x8xf32, #tpu.memory_space<vmem>>, %arg2: memref<1000x8xf32, #tpu.memory_space<vmem>>, %arg3: memref<1000x128xf32, #tpu.memory_space<vmem>>, %arg4: memref<128x64xf32, #tpu.memory_space<vmem>>, %arg5: memref<1000x64xf32, #tpu.memory_space<vmem>>) attributes {dimension_semantics = [#tpu.dimension_semantics<arbitrary>], iteration_bounds = array<i64: 10>, scalar_prefetch = 0 : i64, scratch_operands = 0 : i64, tpu.core_type = #tpu.core_type<tc>, window_params = [{transform_indices = @transform_0, window_bounds = array<i64: 1000, 8>}, {transform_indices = @transform_1, window_bounds = array<i64: 1000, 8>}, {transform_indices = @transform_2, window_bounds = array<i64: 1000, 128>}, {pipeline_mode = #tpu.pipeline_mode<synchronous>, transform_indices = @transform_3, window_bounds = array<i64: 128, 64>}, {transform_indices = @transform_4, window_bounds = array<i64: 1000, 64>}]} {
    %get3A = arith.constant 0 : index
    %get3A_0 = arith.constant 0 : index
    %get3A_1 = vector.load %arg1[%get3A, %get3A_0] : memref<1000x8xf32, #tpu.memory_space<vmem>>, vector<1000x1xf32>
    %get3A_2 = arith.constant 0 : index
    %get3A_3 = arith.constant 0 : index
    %get3A_4 = vector.load %arg2[%get3A_2, %get3A_3] : memref<1000x8xf32, #tpu.memory_space<vmem>>, vector<1000x1xf32>
    %add3A = arith.addf %get3A_1, %get3A_4 : vector<1000x1xf32>
    %add3A_5 = arith.constant 1.000000e+00 : f32
    %add3A_6 = vector.broadcast %add3A_5 : f32 to vector<1000x1xf32>
    %add3A_7 = arith.addf %add3A, %add3A_6 : vector<1000x1xf32>
    %rsqrt3A = math.rsqrt %add3A_7 : vector<1000x1xf32>
    %get3A_8 = arith.constant 0 : index
    %get3A_9 = arith.constant 0 : index
    %get3A_10 = vector.load %arg3[%get3A_8, %get3A_9] : memref<1000x128xf32, #tpu.memory_space<vmem>>, vector<1000x128xf32>
    %get3A_11 = arith.constant 0 : index
    %get3A_12 = arith.constant 0 : index
    %get3A_13 = vector.load %arg4[%get3A_11, %get3A_12] : memref<128x64xf32, #tpu.memory_space<vmem>>, vector<128x64xf32>
    %dot_general3A = arith.constant dense<0.000000e+00> : vector<1000x64xf32>
    %dot_general3A_14 = tpu.matmul %get3A_10, %get3A_13, %dot_general3A {dimension_numbers = #tpu.dot_dimension_numbers<[1], [0], [0], [1], [0, 0, 1, 1], [], []>, transpose_lhs_hint = false} : vector<1000x128xf32>, vector<128x64xf32>, vector<1000x64xf32> -> vector<1000x64xf32>
    %mul3A = vector.broadcast %rsqrt3A : vector<1000x1xf32> to vector<1000x64xf32>
    %mul3A_15 = arith.mulf %dot_general3A_14, %mul3A : vector<1000x64xf32>
    %swap3A = arith.constant 0 : index
    %swap3A_16 = arith.constant 0 : index
    %swap3A_17 = vector.load %arg5[%swap3A, %swap3A_16] : memref<1000x64xf32, #tpu.memory_space<vmem>>, vector<1000x64xf32>
    tpu.vector_store %arg5[%swap3A, %swap3A_16], %mul3A_15 {strides = array<i32>} : memref<1000x64xf32, #tpu.memory_space<vmem>>, vector<1000x64xf32>,
    return
  }
  func.func @transform_0(%arg0: i32) -> (i32, i32) {
    %c0_i32 = arith.constant 0 : i32
    %c0_i32_0 = arith.constant 0 : i32
    return %arg0, %c0_i32 : i32, i32
  }
  func.func @transform_1(%arg0: i32) -> (i32, i32) {
    %c0_i32 = arith.constant 0 : i32
    %c0_i32_0 = arith.constant 0 : i32
    return %arg0, %c0_i32 : i32, i32
  }
  func.func @transform_2(%arg0: i32) -> (i32, i32) {
    %c0_i32 = arith.constant 0 : i32
    %c0_i32_0 = arith.constant 0 : i32
    return %arg0, %c0_i32 : i32, i32
  }
  func.func @transform_3(%arg0: i32) -> (i32, i32) {
    %c0_i32 = arith.constant 0 : i32
    %c0_i32_0 = arith.constant 0 : i32
    %c0_i32_1 = arith.constant 0 : i32
    return %c0_i32, %c0_i32_0 : i32, i32
  }
  func.func @transform_4(%arg0: i32) -> (i32, i32) {
    %c0_i32 = arith.constant 0 : i32
    %c0_i32_0 = arith.constant 0 : i32
    return %arg0, %c0_i32 : i32, i32
  }
}

module attributes {stable_mosaic.version = 14 : i64} {
  func.func @_mid_body(%arg0: i32, %arg1: memref<1000x8xf32, #tpu.memory_space<vmem>>, %arg2: memref<1000x8xf32, #tpu.memory_space<vmem>>, %arg3: memref<1000x64xf32, #tpu.memory_space<vmem>>, %arg4: memref<1000x64xf32, #tpu.memory_space<vmem>>, %arg5: memref<1000x64xf32, #tpu.memory_space<vmem>>, %arg6: memref<8x64xf32, #tpu.memory_space<vmem>>, %arg7: memref<1000x64xf32, #tpu.memory_space<vmem>>) attributes {dimension_semantics = [#tpu.dimension_semantics<arbitrary>], iteration_bounds = array<i64: 10>, scalar_prefetch = 0 : i64, scratch_operands = 0 : i64, tpu.core_type = #tpu.core_type<tc>, window_params = [{transform_indices = @transform_0, window_bounds = array<i64: 1000, 8>}, {transform_indices = @transform_1, window_bounds = array<i64: 1000, 8>}, {transform_indices = @transform_2, window_bounds = array<i64: 1000, 64>}, {transform_indices = @transform_3, window_bounds = array<i64: 1000, 64>}, {transform_indices = @transform_4, window_bounds = array<i64: 1000, 64>}, {pipeline_mode = #tpu.pipeline_mode<synchronous>, transform_indices = @transform_5, window_bounds = array<i64: 8, 64>}, {transform_indices = @transform_6, window_bounds = array<i64: 1000, 64>}]} {
    %get3A = arith.constant 0 : index
    %get3A_0 = arith.constant 0 : index
    %get3A_1 = vector.load %arg1[%get3A, %get3A_0] : memref<1000x8xf32, #tpu.memory_space<vmem>>, vector<1000x1xf32>
    %get3A_2 = arith.constant 0 : index
    %get3A_3 = arith.constant 0 : index
    %get3A_4 = vector.load %arg2[%get3A_2, %get3A_3] : memref<1000x8xf32, #tpu.memory_space<vmem>>, vector<1000x1xf32>
    %add3A = arith.addf %get3A_1, %get3A_4 : vector<1000x1xf32>
    %add3A_5 = arith.constant 1.000000e+00 : f32
    %add3A_6 = vector.broadcast %add3A_5 : f32 to vector<1000x1xf32>
    %add3A_7 = arith.addf %add3A, %add3A_6 : vector<1000x1xf32>
    %rsqrt3A = math.rsqrt %add3A_7 : vector<1000x1xf32>
    %get3A_8 = arith.constant 0 : index
    %get3A_9 = arith.constant 0 : index
    %get3A_10 = vector.load %arg3[%get3A_8, %get3A_9] : memref<1000x64xf32, #tpu.memory_space<vmem>>, vector<1000x64xf32>
    %get3A_11 = arith.constant 0 : index
    %get3A_12 = arith.constant 0 : index
    %get3A_13 = vector.load %arg4[%get3A_11, %get3A_12] : memref<1000x64xf32, #tpu.memory_space<vmem>>, vector<1000x64xf32>
    %add3A_14 = arith.addf %get3A_10, %get3A_13 : vector<1000x64xf32>
    %get3A_15 = arith.constant 0 : index
    %get3A_16 = arith.constant 0 : index
    %get3A_17 = vector.load %arg5[%get3A_15, %get3A_16] : memref<1000x64xf32, #tpu.memory_space<vmem>>, vector<1000x64xf32>
    %add3A_18 = arith.addf %add3A_14, %get3A_17 : vector<1000x64xf32>
    %mul3A = vector.broadcast %rsqrt3A : vector<1000x1xf32> to vector<1000x64xf32>
    %mul3A_19 = arith.mulf %add3A_18, %mul3A : vector<1000x64xf32>
    %get3A_20 = arith.constant 0 : index
    %get3A_21 = arith.constant 0 : index
    %get3A_22 = vector.load %arg6[%get3A_20, %get3A_21] : memref<8x64xf32, #tpu.memory_space<vmem>>, vector<1x64xf32>
    %add3A_23 = vector.broadcast %get3A_22 : vector<1x64xf32> to vector<1000x64xf32>
    %add3A_24 = arith.addf %mul3A_19, %add3A_23 : vector<1000x64xf32>
    %max3A = arith.constant 0.000000e+00 : f32
    %max3A_25 = vector.broadcast %max3A : f32 to vector<1000x64xf32>
    %max3A_26 = arith.maximumf %add3A_24, %max3A_25 : vector<1000x64xf32>
    %mul3A_27 = vector.broadcast %rsqrt3A : vector<1000x1xf32> to vector<1000x64xf32>
    %mul3A_28 = arith.mulf %max3A_26, %mul3A_27 : vector<1000x64xf32>
    %swap3A = arith.constant 0 : index
    %swap3A_29 = arith.constant 0 : index
    %swap3A_30 = vector.load %arg7[%swap3A, %swap3A_29] : memref<1000x64xf32, #tpu.memory_space<vmem>>, vector<1000x64xf32>
    tpu.vector_store %arg7[%swap3A, %swap3A_29], %mul3A_28 {strides = array<i32>} : memref<1000x64xf32, #tpu.memory_space<vmem>>, vector<1000x64xf32>,
    return
  }
  func.func @transform_0(%arg0: i32) -> (i32, i32) {
    %c0_i32 = arith.constant 0 : i32
    %c0_i32_0 = arith.constant 0 : i32
    return %arg0, %c0_i32 : i32, i32
  }
  func.func @transform_1(%arg0: i32) -> (i32, i32) {
    %c0_i32 = arith.constant 0 : i32
    %c0_i32_0 = arith.constant 0 : i32
    return %arg0, %c0_i32 : i32, i32
  }
  func.func @transform_2(%arg0: i32) -> (i32, i32) {
    %c0_i32 = arith.constant 0 : i32
    %c0_i32_0 = arith.constant 0 : i32
    return %arg0, %c0_i32 : i32, i32
  }
  func.func @transform_3(%arg0: i32) -> (i32, i32) {
    %c0_i32 = arith.constant 0 : i32
    %c0_i32_0 = arith.constant 0 : i32
    return %arg0, %c0_i32 : i32, i32
  }
  func.func @transform_4(%arg0: i32) -> (i32, i32) {
    %c0_i32 = arith.constant 0 : i32
    %c0_i32_0 = arith.constant 0 : i32
    return %arg0, %c0_i32 : i32, i32
  }
  func.func @transform_5(%arg0: i32) -> (i32, i32) {
    %c0_i32 = arith.constant 0 : i32
    %c0_i32_0 = arith.constant 0 : i32
    %c0_i32_1 = arith.constant 0 : i32
    return %c0_i32, %c0_i32_0 : i32, i32
  }
  func.func @transform_6(%arg0: i32) -> (i32, i32) {
    %c0_i32 = arith.constant 0 : i32
    %c0_i32_0 = arith.constant 0 : i32
    return %arg0, %c0_i32 : i32, i32
  }
}

module attributes {stable_mosaic.version = 14 : i64} {
  func.func @_mm2_body(%arg0: i32, %arg1: memref<1000x8xf32, #tpu.memory_space<vmem>>, %arg2: memref<1000x8xf32, #tpu.memory_space<vmem>>, %arg3: memref<1000x64xf32, #tpu.memory_space<vmem>>, %arg4: memref<1000x64xf32, #tpu.memory_space<vmem>>, %arg5: memref<1000x64xf32, #tpu.memory_space<vmem>>, %arg6: memref<64x128xf32, #tpu.memory_space<vmem>>, %arg7: memref<8x128xf32, #tpu.memory_space<vmem>>, %arg8: memref<1000x128xf32, #tpu.memory_space<vmem>>) attributes {dimension_semantics = [#tpu.dimension_semantics<arbitrary>], iteration_bounds = array<i64: 10>, scalar_prefetch = 0 : i64, scratch_operands = 0 : i64, tpu.core_type = #tpu.core_type<tc>, window_params = [{transform_indices = @transform_0, window_bounds = array<i64: 1000, 8>}, {transform_indices = @transform_1, window_bounds = array<i64: 1000, 8>}, {transform_indices = @transform_2, window_bounds = array<i64: 1000, 64>}, {transform_indices = @transform_3, window_bounds = array<i64: 1000, 64>}, {transform_indices = @transform_4, window_bounds = array<i64: 1000, 64>}, {pipeline_mode = #tpu.pipeline_mode<synchronous>, transform_indices = @transform_5, window_bounds = array<i64: 64, 128>}, {pipeline_mode = #tpu.pipeline_mode<synchronous>, transform_indices = @transform_6, window_bounds = array<i64: 8, 128>}, {transform_indices = @transform_7, window_bounds = array<i64: 1000, 128>}]} {
    %get3A = arith.constant 0 : index
    %get3A_0 = arith.constant 0 : index
    %get3A_1 = vector.load %arg1[%get3A, %get3A_0] : memref<1000x8xf32, #tpu.memory_space<vmem>>, vector<1000x1xf32>
    %get3A_2 = arith.constant 0 : index
    %get3A_3 = arith.constant 0 : index
    %get3A_4 = vector.load %arg2[%get3A_2, %get3A_3] : memref<1000x8xf32, #tpu.memory_space<vmem>>, vector<1000x1xf32>
    %add3A = arith.addf %get3A_1, %get3A_4 : vector<1000x1xf32>
    %add3A_5 = arith.constant 1.000000e+00 : f32
    %add3A_6 = vector.broadcast %add3A_5 : f32 to vector<1000x1xf32>
    %add3A_7 = arith.addf %add3A, %add3A_6 : vector<1000x1xf32>
    %rsqrt3A = math.rsqrt %add3A_7 : vector<1000x1xf32>
    %get3A_8 = arith.constant 0 : index
    %get3A_9 = arith.constant 0 : index
    %get3A_10 = vector.load %arg3[%get3A_8, %get3A_9] : memref<1000x64xf32, #tpu.memory_space<vmem>>, vector<1000x64xf32>
    %get3A_11 = arith.constant 0 : index
    %get3A_12 = arith.constant 0 : index
    %get3A_13 = vector.load %arg4[%get3A_11, %get3A_12] : memref<1000x64xf32, #tpu.memory_space<vmem>>, vector<1000x64xf32>
    %add3A_14 = arith.addf %get3A_10, %get3A_13 : vector<1000x64xf32>
    %get3A_15 = arith.constant 0 : index
    %get3A_16 = arith.constant 0 : index
    %get3A_17 = vector.load %arg5[%get3A_15, %get3A_16] : memref<1000x64xf32, #tpu.memory_space<vmem>>, vector<1000x64xf32>
    %add3A_18 = arith.addf %add3A_14, %get3A_17 : vector<1000x64xf32>
    %mul3A = vector.broadcast %rsqrt3A : vector<1000x1xf32> to vector<1000x64xf32>
    %mul3A_19 = arith.mulf %add3A_18, %mul3A : vector<1000x64xf32>
    %get3A_20 = arith.constant 0 : index
    %get3A_21 = arith.constant 0 : index
    %get3A_22 = vector.load %arg6[%get3A_20, %get3A_21] : memref<64x128xf32, #tpu.memory_space<vmem>>, vector<64x128xf32>
    %dot_general3A = arith.constant dense<0.000000e+00> : vector<1000x128xf32>
    %dot_general3A_23 = tpu.matmul %mul3A_19, %get3A_22, %dot_general3A {dimension_numbers = #tpu.dot_dimension_numbers<[1], [0], [0], [1], [0, 0, 1, 1], [], []>, transpose_lhs_hint = false} : vector<1000x64xf32>, vector<64x128xf32>, vector<1000x128xf32> -> vector<1000x128xf32>
    %get3A_24 = arith.constant 0 : index
    %get3A_25 = arith.constant 0 : index
    %get3A_26 = vector.load %arg7[%get3A_24, %get3A_25] : memref<8x128xf32, #tpu.memory_space<vmem>>, vector<1x128xf32>
    %add3A_27 = vector.broadcast %get3A_26 : vector<1x128xf32> to vector<1000x128xf32>
    %add3A_28 = arith.addf %dot_general3A_23, %add3A_27 : vector<1000x128xf32>
    %swap3A = arith.constant 0 : index
    %swap3A_29 = arith.constant 0 : index
    %swap3A_30 = vector.load %arg8[%swap3A, %swap3A_29] : memref<1000x128xf32, #tpu.memory_space<vmem>>, vector<1000x128xf32>
    tpu.vector_store %arg8[%swap3A, %swap3A_29], %add3A_28 {strides = array<i32>} : memref<1000x128xf32, #tpu.memory_space<vmem>>, vector<1000x128xf32>,
    return
  }
  func.func @transform_0(%arg0: i32) -> (i32, i32) {
    %c0_i32 = arith.constant 0 : i32
    %c0_i32_0 = arith.constant 0 : i32
    return %arg0, %c0_i32 : i32, i32
  }
  func.func @transform_1(%arg0: i32) -> (i32, i32) {
    %c0_i32 = arith.constant 0 : i32
    %c0_i32_0 = arith.constant 0 : i32
    return %arg0, %c0_i32 : i32, i32
  }
  func.func @transform_2(%arg0: i32) -> (i32, i32) {
    %c0_i32 = arith.constant 0 : i32
    %c0_i32_0 = arith.constant 0 : i32
    return %arg0, %c0_i32 : i32, i32
  }
  func.func @transform_3(%arg0: i32) -> (i32, i32) {
    %c0_i32 = arith.constant 0 : i32
    %c0_i32_0 = arith.constant 0 : i32
    return %arg0, %c0_i32 : i32, i32
  }
  func.func @transform_4(%arg0: i32) -> (i32, i32) {
    %c0_i32 = arith.constant 0 : i32
    %c0_i32_0 = arith.constant 0 : i32
    return %arg0, %c0_i32 : i32, i32
  }
  func.func @transform_5(%arg0: i32) -> (i32, i32) {
    %c0_i32 = arith.constant 0 : i32
    %c0_i32_0 = arith.constant 0 : i32
    %c0_i32_1 = arith.constant 0 : i32
    return %c0_i32, %c0_i32_0 : i32, i32
  }
  func.func @transform_6(%arg0: i32) -> (i32, i32) {
    %c0_i32 = arith.constant 0 : i32
    %c0_i32_0 = arith.constant 0 : i32
    %c0_i32_1 = arith.constant 0 : i32
    return %c0_i32, %c0_i32_0 : i32, i32
  }
  func.func @transform_7(%arg0: i32) -> (i32, i32) {
    %c0_i32 = arith.constant 0 : i32
    %c0_i32_0 = arith.constant 0 : i32
    return %arg0, %c0_i32 : i32, i32
  }
}

</mosaic_0001>

<sc_bundles>
// kernel: kernel.11.cloned.1.call-start
scs
__scs_entry_jumppad:
0x0: {  	(pc) =	sbr.rel $0x88, $3  }
0x1: {  	(tag) =	ssettag $0x0;
	lr =	simm.s32 $0x1  }
0x2: {  	[smem:$0x3F9B] =	sst lr;
	_ =	strace $0xD0000000  }
0x3: {  	_ = 	snop  }
0x4: {  	_ = 	snop  }
0x5: {  	_ = 	snop  }
0x6: {  	_ = 	snop  }
0x7: {  	_ = 	snop  }
__scs_overlays_trampoline_lowered:
0x8: {  	[smem:$0x3FAA] =	sst s0  }
0x9: {  	[smem:$0x3FAB] =	sst s1  }
0xa: {  	[smem:$0x3FAC] =	sst s2  }
0xb: {  	[smem:$0x3FAD] =	sst s3  }
0xc: {  	[smem:$0x3FAE] =	sst s4  }
0xd: {  	[smem:$0x3FAF] =	sst s5  }
0xe: {  	[smem:$0x3FB0] =	sst s6  }
0xf: {  	[smem:$0x3FB1] =	sst s7  }
0x10: {  	[smem:$0x3FB2] =	sst s8  }
0x11: {  	[smem:$0x3FB3] =	sst s9;
	s0 =	simm.s32 @!p0 $0x0  }
0x12: {  	s1 =	sld [smem:$0x3F99];
	s0 =	simm.s32 @p0 $0x1  }
0x13: {  	[smem:$0x3FB4] =	sst s0;
	s0 =	simm.s32 @!p1 $0x0  }
0x14: {  	s2 =	sld [smem:$0x3F98];
	s0 =	simm.s32 @p1 $0x1  }
0x15: {  	[smem:$0x3FB5] =	sst s0;
	s0 =	simm.s32 @!p2 $0x0  }
0x16: {  	s3 =	sld [smem:$0x3FDB];
	s0 =	simm.s32 @p2 $0x1  }
0x17: {  	s4 =	simm.s32 $0x1BF5;
	[smem:$0x3FB7] =	sst s0  }
0x18: {  	s0 =	sld [smem:$0x3F9A];
	_ =	swait.ge [sflag:s4], $0x0  }
0x19: {  	s7 =	sld [smem:$0x3F9B]  }
0x1a: {  	s8 =	sadd.s32 $0xFFFFE003, lr  }
0x1b: {  	s9 =	sadd.s32 $0xFFFFFEF7, lr;
	s5 =	simm.s32 $0xFFFFFFFF;
	p2 =	slt.u32 s8, $0xFFFFF086  }
0x1c: {  	p1 =	slt.u32 s9, $0xF7A;
	s5 =	simm.s32 @!p2 $0x0  }
0x1d: {  	s5 =	simm.s32 @p1 $0x1;
	p0 =	seq.s32 s7, s2  }
0x1e: {  	s7 =	smul.u32 @!p0 $0xF7A, s2;
	p2 =	seq.s32 @!p0 s5, $0x0  }
0x1f: {  	s9 =	smul.u32 $0xF7A, s1;
	s8 =	simm.s32 @!p0 $0x1BF5;
	p2 =	por !p2, p0  }
0x20: {  	[sflag:s8] =	ssyncset.s32 @!p0 $0xFFFFF086;
	s6 =	sadd.s32 @!p0 s3, s7;
	s7 =	simm.s32 @!p0 $0x108  }
0x21: {  	s3 =	sadd.s32 s3, s9;
	s6 =	sadd.s32 @!p0 $0x88, s6;
	s7 =	simm.s32 @p2 $0x1082  }
0x22: {  	[simem:s7], [sflag:s8] =	dma.local @!p0 [hbm:s6], $0xF7A  }
0x23: {  	s9 =	sor.u32 $0xD0000000, s2;
	s6 =	simm.s32 $0x108;
	_ =	swait.ge @!p0 [sflag:s8], $0x0  }
0x24: {  	s3 =	sadd.s32 $0x88, s3;
	s6 =	simm.s32 @!p1 $0x1082;
	[sflag:s4] =	ssyncset.s32 $0xFFFFF086  }
0x25: {  	[simem:s6], [sflag:s4] =	dma.local [hbm:s3], $0xF7A  }
0x26: {  	[smem:$0x3F9B] =	sst s1;
	(tag) =	ssettag s2;
	_ =	strace s9  }
0x27: {  	s1 =	sld [smem:$0x3FAB]  }
0x28: {  	s2 =	sld [smem:$0x3FAC]  }
0x29: {  	s4 =	sld [smem:$0x3FAE]  }
0x2a: {  	p0 =	seq.s32 s5, $0x0;
	s5 =	sld [smem:$0x3FAF]  }
0x2b: {  	s6 =	sld [smem:$0x3FB0]  }
0x2c: {  	s7 =	sld [smem:$0x3FB1]  }
0x2d: {  	s3 =	simm.s32 $0x108;
	s8 =	sld [smem:$0x3FB2]  }
0x2e: {  	s3 =	simm.s32 @!p0 $0x1082;
	s9 =	sld [smem:$0x3FB3]  }
0x2f: {  	lr =	sadd.s32 s0, s3;
	s0 =	sld [smem:$0x3FAA]  }
0x30: {  	s3 =	sld [smem:$0x3FAD]  }
0x31: {  	[smem:$0x3FB6] =	sst s10  }
0x32: {  	s10 =	sld [smem:$0x3FB4];
	_ =	sdelay $0x3  }
0x33: {  	p0 =	seq.s32 s10, $0x1;
	s10 =	sld [smem:$0x3FB6];
	_ =	sdelay $0x3  }
0x34: {  	[smem:$0x3FB6] =	sst s10  }
0x35: {  	s10 =	sld [smem:$0x3FB5];
	_ =	sdelay $0x3  }
0x36: {  	p1 =	seq.s32 s10, $0x1;
	s10 =	sld [smem:$0x3FB6];
	_ =	sdelay $0x3  }
0x37: {  	[smem:$0x3FB6] =	sst s10  }
0x38: {  	s10 =	sld [smem:$0x3FB7]  }
0x39: {  	_ = 	snop;
	(pc) =	sbr.ind lr, $3  }
0x3a: {  	_ = 	snop  }
0x3b: {  	_ = 	snop  }
0x3c: {  	p2 =	seq.s32 s10, $0x1;
	s10 =	sld [smem:$0x3FB6]  }
0x3d: {  	_ =	shalt  }
0x3e: {  	_ =	shalt  }
0x3f: {  	_ =	shalt  }
0x40: {  	_ =	shalt  }
0x41: {  	_ =	shalt  }
0x42: {  	_ =	shalt  }
0x43: {  	_ =	shalt  }
0x44: {  	_ =	shalt  }
0x45: {  	_ =	shalt  }
0x46: {  	_ =	shalt  }
0x47: {  	_ =	shalt  }
0x48: {  	_ =	shalt  }
0x49: {  	_ =	shalt  }
0x4a: {  	_ =	shalt  }
0x4b: {  	_ =	shalt  }
0x4c: {  	_ =	shalt  }
0x4d: {  	_ =	shalt  }
0x4e: {  	_ =	shalt  }
0x4f: {  	_ =	shalt  }
0x50: {  	_ =	shalt  }
0x51: {  	_ =	shalt  }
0x52: {  	_ =	shalt  }
0x53: {  	_ =	shalt  }
0x54: {  	_ =	shalt  }
0x55: {  	_ =	shalt  }
0x56: {  	_ =	shalt  }
0x57: {  	_ =	shalt  }
0x58: {  	_ =	shalt  }
0x59: {  	_ =	shalt  }
0x5a: {  	_ =	shalt  }
0x5b: {  	_ =	shalt  }
0x5c: {  	_ =	shalt  }
0x5d: {  	_ =	shalt  }
0x5e: {  	_ =	shalt  }
0x5f: {  	_ =	shalt  }
0x60: {  	_ =	shalt  }
0x61: {  	_ =	shalt  }
0x62: {  	_ =	shalt  }
0x63: {  	_ =	shalt  }
0x64: {  	_ =	shalt  }
0x65: {  	_ =	shalt  }
0x66: {  	_ =	shalt  }
0x67: {  	_ =	shalt  }
0x68: {  	_ =	shalt  }
0x69: {  	_ =	shalt  }
0x6a: {  	_ =	shalt  }
0x6b: {  	_ =	shalt  }
0x6c: {  	_ =	shalt  }
0x6d: {  	_ =	shalt  }
0x6e: {  	_ =	shalt  }
0x6f: {  	_ =	shalt  }
0x70: {  	_ =	shalt  }
0x71: {  	_ =	shalt  }
0x72: {  	_ =	shalt  }
0x73: {  	_ =	shalt  }
0x74: {  	_ =	shalt  }
0x75: {  	_ =	shalt  }
0x76: {  	_ =	shalt  }
0x77: {  	_ =	shalt  }
0x78: {  	_ =	shalt  }
0x79: {  	_ =	shalt  }
0x7a: {  	_ =	shalt  }
0x7b: {  	_ =	shalt  }
0x7c: {  	_ =	shalt  }
0x7d: {  	_ =	shalt  }
0x7e: {  	_ =	shalt  }
0x7f: {  	_ =	shalt  }
0x80: {  	_ =	shalt  }
0x81: {  	_ =	shalt  }
0x82: {  	_ =	shalt  }
0x83: {  	_ =	shalt  }
0x84: {  	_ =	shalt  }
0x85: {  	_ =	shalt  }
0x86: {  	_ =	shalt  }
0x87: {  	_ =	shalt  }
.Lfunc_end0:
.L_simem_size_0:
called_computation.1_lowered:
.L_overlay_start_0:
0x88: {  	s2 =	sld [smem:$0x3FD9]  }
0x89: {  	s3 =	sld [smem:$0x3FFE];
	_ =	sdelay $0x1  }
0x8a: {  	s1 =	srdreg.scid  }
0x8b: {  	s0 =	sand.u32 $0x1, s1  }
0x8c: {  	s17 =	sshll.u32 s0, $0xA;
	s2 =	sadd.s32 s3, s2  }
0x8d: {  	s2 =	sadd.s32 s2, s17  }
0x8e: {  	[smem:$0x3FC2] =	sst s2  }
0x8f: {  	_ = 	snop  }
0x90: {  	s2 =	sld [smem:$0x3FD0];
	(tm) =	ssettm $0x1  }
0x91: {  	s18 =	sld [smem:$0x3FFB];
	_ =	sdelay $0x3  }
0x92: {  	_ =	strace s18  }
0x93: {  	s3 =	sld [smem:$0x3FFC];
	_ =	sdelay $0x3  }
0x94: {  	_ =	strace s3  }
0x95: {  	s3 =	sld [smem:$0x3FFD];
	_ =	sdelay $0x3  }
0x96: {  	_ =	strace s3  }
0x97: {  	_ =	strace $0x8FFFFFFF  }
0x98: {  	s19 =	sld [smem:$0x3FDB];
	_ =	sdelay $0x1  }
0x99: {  	s4 =	simm.s32 $_scs_section_size  }
0x9a: {  	s5 =	simm.s32 $_size__tile_overlayer_lowered;
	s6 =	simm.s32 $_tile_overlayer_lowered  }
0x9b: {  	s22 =	simm.s32 $0x1BFF;
	s21 =	sshll.u32 s6, $0x1;
	s3 =	sadd.s32 s4, s19  }
0x9c: {  	s7 =	simm.s32 $0x0;
	s20 =	sshll.u32 s5, $0x1;
	s5 =	sadd.s32 s21, s3  }
0x9d: {  	[timem:s7], [sflag:s22] =	dma.local [hbm:s5], s20  }
0x9e: {  	_ =	swait.ge [sflag:s22], s20  }
0x9f: {  	s4 =	ssub.s32 $0x0, s20;
	[sflag:s22] =	ssyncset.done $0x0  }
0xa0: {  	[sflag:s22] =	ssyncadd.s32 s4;
	_ =	sdelay $0x1  }
0xa1: {  	s23 =	simm.s32 $0x1B8B  }
0xa2: {  	_ =	swait.ge [sflag:s23], $0x1  }
0xa3: {  	[sflag:s23] =	ssyncset.done $0x0  }
0xa4: {  	s25 =	simm.s32 $0x1B8E;
	s24 =	sld [smem:$0x3FFE];
	[sflag:s23] =	ssyncadd.s32 $0xFFFFFFFF  }
0xa5: {  	s26 =	simm.s32 $execute0_lowered;
	[smem:$0x3FD2] =	sst s25  }
0xa6: {  	s5 =	sshll.u32 s26, $0x1;
	_ =	strace $0x80000049;
	[dreg:$0x1] =	wrdreg $0xFFFFFFFF  }
0xa7: {  	s28 =	simm.s32 $_size_execute0_lowered;
	s3 =	sadd.s32 s3, s5;
	[dreg:$0x0] =	wrdreg $0x0  }
0xa8: {  	s5 =	sshll.u32 s28, $0x1;
	[dreg:$0x2] =	wrdreg s3  }
0xa9: {  	[dreg:$0x3] =	wrdreg s5  }
0xaa: {  	[dreg:$0x4] =	wrdreg $0xC0  }
0xab: {  	_ =	task [dreg:s7], $0x5FFFF  }
0xac: {  	[dreg:$0x1] =	wrdreg $0xFFFFFFFF  }
0xad: {  	[dreg:$0x0] =	wrdreg $0x60  }
0xae: {  	[dreg:$0x2] =	wrdreg s24  }
0xaf: {  	[dreg:$0x3] =	wrdreg s2  }
0xb0: {  	[dreg:$0x4] =	wrdreg $0xB2200  }
0xb1: {  	[dreg:$0x5] =	wrdreg $0x9  }
0xb2: {  	_ =	task.clear_ibuf [dreg:s7], $0x6FFFF;
	_ =	strace $0x90000049  }
0xb3: {  	s29 =	simm.s32 $0x9;
	_ =	strace $0x8000004B  }
0xb4: {  	_ =	swait.ge [sflag:s29], $0x1  }
0xb5: {  	[sflag:s29] =	ssyncadd.s32 $0xFFFFFFFF  }
0xb6: {  	_ =	strace $0x9000004B  }
0xb7: {  	_ =	sfence  }
0xb8: {  	s30 =	sld [smem:$0x0];
	_ =	sdelay $0x2  }
0xb9: {  	s31 =	sshll.u32 s1, $0xD;
	s1 =	sshrl.u32 s1, $0x2  }
0xba: {  	s3 =	sand.u32 $0x4000, s31;
	s1 =	sadd.s32 s1, s30  }
0xbb: {  	s0 =	sor.u32 s3, s0;
	s1 =	sshll.u32 s1, $0x11  }
0xbc: {  	s0 =	sor.u32 s1, s0  }
0xbd: {  	s0 =	sadd.s32 $0x8F2B, s0  }
0xbe: {  	[sflag:s0] =	ssyncadd.remote.s32 $0x1  }
0xbf: {  	_ =	sfence.sel $0xFFFF  }
0xc0: {  	[dreg:$0x0] =	wrdreg $0xFFFFFFFF;
	(pc) =	sbr.abs _section_cstart, $3  }
0xc1: {  	[dreg:$0x1] =	wrdreg $0xFFFFFFFF  }
0xc2: {  	_ =	task.clear_ibuf [dreg:s7], $0x2FFFF;
	_ =	strace $0x9FFFFFFF  }
0xc3: {  	(tm) =	ssettm $0x7FFFFFFF  }
tec
execute0_lowered:
.L_overlay_start_1:
0x0: {  	(tag) =	ssettag $0x1  }
0x1: {  	s0 =	rddreg [dreg:$0x0];
	s1 =	srdreg.scid  }
0x2: {  	s11 =	stileid.u32;
	s10 =	rddreg [dreg:$0x1]  }
0x3: {  	s2 =	rddreg [dreg:$0x2];
	s14 =	simm.s32 $0x50;
	s15 =	simm.s32 $0x4E20  }
0x4: {  	s16 =	simm.s32 $0x6220;
	s18 =	simm.s32 $0x7620;
	s20 =	simm.s32 $0x8A20  }
0x5: {  	s22 =	simm.s32 $0x9E20;
	s23 =	simm.s32 $0x1;
	s24 =	simm.s32 $0x2  }
0x6: {  	s25 =	simm.s32 $0x3;
	s28 =	simm.s32 $0x5;
	s29 =	simm.s32 $0x4C90  }
0x7: {  	s30 =	simm.s32 $0x4CE0;
	s31 =	simm.s32 $0x4D30;
	s1 =	sand.u32 $0x1, s1  }
0x8: {  	s3 =	sshll.u32 s11, $0x1;
	s9 =	smul.u32 $0xA000, s11;
	s11 =	sshll.u32 s11, $0x6  }
0x9: {  	s4 =	sor.u32 s1, s3;
	s3 =	simm.s32 $0x0;
	s6 =	ssub.s32 $0x2, s1  }
0xa: {  	p0 =	seq.s32 s1, $0x1;
	s1 =	simm.s32 $0x4D80;
	s5 =	smul.u32 $0x4E2, s4  }
0xb: {  	[smem:$0x7FF] =	sst s3;
	s4 =	sadd.s32 $0x16200, s0;
	s7 =	sshrl.u32 s6, $0x1  }
0xc: {  	s13 =	sadd.s32 s9, s2;
	s26 =	sshrl.u32 s9, $0x3;
	_ =	strace $0x8000004A  }
0xd: {  	s12 =	ssub.s32 s6, s7;
	s6 =	sor.u32 $0x1C06, s11;
	s11 =	sshrl.u32 s13, $0x3  }
0xe: {  	s13 =	simm.s32 $0x0;
	s8 =	sadd.s32 s5, s0;
	s5 =	sadd.s32 $0x29C00, s0  }
0xf: {  	s0 =	sadd.s32 $0x2B000, s0;
	s9 =	smax.u32 s12, $0x1;
	s12 =	simm.s32 $0x6  }
0x10: {  	s7 =	sadd.s32 $0x2600, s8;
	s8 =	sadd.s32 $0xC400, s8;
	s10 =	smov.u32 @p0 s0  }
0x11: {  	s0 =	simm.s32 $0x4DD0;
	s10 =	sadd.s32 s10, s26;
	s26 =	simm.s32 $0x4  }
.LBB2_1:
0x12: {  	[spmem:s11], [sflag:s6] =	dma.local [hbm:s5], $0x1400  }
0x13: {  	_ =	swait.ge [sflag:s12], $0x1400  }
0x14: {  	[sflag:s12] =	ssyncset.done $0x0  }
0x15: {  	[sflag:s12] =	ssyncadd.s32 $0xFFFFEC00  }
0x16: {  	[tilespmem:s3], [sflag:$0x6] =	stream.linear.gather [hbm4b:s7+s3], $0x2710, $0x38;
	[tilespmem:$0x15220] =	vst v63  }
0x17: {  	_ =	swait.ge [sflag:s12], $0x2710  }
0x18: {  	[sflag:s12] =	ssyncset.done $0x0  }
0x19: {  	s17 =	simm.s32 $0x2710;
	[sflag:s12] =	ssyncadd.s32 $0xFFFFD8F0  }
0x1a: {  	[tilespmem:s17], [sflag:$0x6] =	stream.linear.gather [hbm4b:s8+s3], $0x2710, $0x38;
	[tilespmem:$0x15220] =	vst v63  }
0x1b: {  	_ =	swait.ge [sflag:s12], $0x2710  }
0x1c: {  	[sflag:s12] =	ssyncset.done $0x0  }
0x1d: {  	[sflag:s12] =	ssyncadd.s32 $0xFFFFD8F0  }
0x1e: {  	[tilespmem:s15], [sflag:$0x1] =	stream.indirect.gather [hbm4b:s4+s14], $0x40, s3, s14, $0xb8;
	[tilespmem:$0x15220] =	vst v63  }
0x1f: {  	_ = 	snop  }
0x20: {  	[tilespmem:s16], [sflag:$0x2] =	stream.indirect.gather [hbm4b:s4+s14], $0x40, s14, s14, $0xb8;
	[tilespmem:$0x15220] =	vst v63  }
0x21: {  	s19 =	simm.s32 $0xA0  }
0x22: {  	[tilespmem:s18], [sflag:$0x3] =	stream.indirect.gather [hbm4b:s4+s14], $0x40, s19, s14, $0xb8;
	[tilespmem:$0x15220] =	vst v63  }
0x23: {  	s21 =	simm.s32 $0xF0  }
0x24: {  	[tilespmem:s20], [sflag:$0x4] =	stream.indirect.gather [hbm4b:s4+s14], $0x40, s21, s14, $0xb8;
	[tilespmem:$0x15220] =	vst v63  }
0x25: {  	s19 =	simm.s32 $0x140  }
0x26: {  	[tilespmem:s22], [sflag:$0x5] =	stream.indirect.gather [hbm4b:s4+s14], $0x40, s19, s14, $0xb8;
	[tilespmem:$0x15220] =	vst v63  }
0x27: {  	[bflag:$0x0] =	sbarrier.arrive $0xFFFF  }
0x28: {  	_ =	swait.ge [sflag:s23], $0x1400  }
0x29: {  	[sflag:s23] =	ssyncset.done $0x0  }
0x2a: {  	s21 =	simm.s32 $0x2710;
	[sflag:s23] =	ssyncadd.s32 $0xFFFFEC00  }
0x2b: {  	[spmem:s2] =	stream.indirect.scatter.add.f32 [tilespmem:s15], [sflag:$0x6], $0x40, s21, s14, $0xb8;
	[tilespmem:$0x15220] =	vst v63  }
0x2c: {  	_ =	swait.ge [sflag:s12], $0x1400  }
0x2d: {  	[sflag:s12] =	ssyncset.done $0x0  }
0x2e: {  	s19 =	simm.s32 $0x190;
	[sflag:s12] =	ssyncadd.s32 $0xFFFFEC00  }
0x2f: {  	[tilespmem:s15], [sflag:$0x1] =	stream.indirect.gather [hbm4b:s4+s14], $0x40, s19, s14, $0xb8;
	[tilespmem:$0x15220] =	vst v63  }
0x30: {  	_ =	swait.ge [sflag:s24], $0x1400  }
0x31: {  	[sflag:s24] =	ssyncset.done $0x0  }
0x32: {  	s21 =	simm.s32 $0x2760;
	[sflag:s24] =	ssyncadd.s32 $0xFFFFEC00  }
0x33: {  	[spmem:s2] =	stream.indirect.scatter.add.f32 [tilespmem:s16], [sflag:$0x6], $0x40, s21, s14, $0xb8;
	[tilespmem:$0x15220] =	vst v63  }
0x34: {  	_ =	swait.ge [sflag:s12], $0x1400  }
0x35: {  	[sflag:s12] =	ssyncset.done $0x0  }
0x36: {  	s19 =	simm.s32 $0x1E0;
	[sflag:s12] =	ssyncadd.s32 $0xFFFFEC00  }
0x37: {  	[tilespmem:s16], [sflag:$0x2] =	stream.indirect.gather [hbm4b:s4+s14], $0x40, s19, s14, $0xb8;
	[tilespmem:$0x15220] =	vst v63  }
0x38: {  	_ =	swait.ge [sflag:s25], $0x1400  }
0x39: {  	[sflag:s25] =	ssyncset.done $0x0  }
0x3a: {  	s21 =	simm.s32 $0x27B0;
	[sflag:s25] =	ssyncadd.s32 $0xFFFFEC00  }
0x3b: {  	[spmem:s2] =	stream.indirect.scatter.add.f32 [tilespmem:s18], [sflag:$0x6], $0x40, s21, s14, $0xb8;
	[tilespmem:$0x15220] =	vst v63  }
0x3c: {  	_ =	swait.ge [sflag:s12], $0x1400  }
0x3d: {  	[sflag:s12] =	ssyncset.done $0x0  }
0x3e: {  	s19 =	simm.s32 $0x230;
	[sflag:s12] =	ssyncadd.s32 $0xFFFFEC00  }
0x3f: {  	[tilespmem:s18], [sflag:$0x3] =	stream.indirect.gather [hbm4b:s4+s14], $0x40, s19, s14, $0xb8;
	[tilespmem:$0x15220] =	vst v63  }
0x40: {  	_ =	swait.ge [sflag:s26], $0x1400  }
0x41: {  	[sflag:s26] =	ssyncset.done $0x0  }
0x42: {  	s21 =	simm.s32 $0x2800;
	[sflag:s26] =	ssyncadd.s32 $0xFFFFEC00  }
0x43: {  	[spmem:s2] =	stream.indirect.scatter.add.f32 [tilespmem:s20], [sflag:$0x6], $0x40, s21, s14, $0xb8;
	[tilespmem:$0x15220] =	vst v63  }
0x44: {  	_ =	swait.ge [sflag:s12], $0x1400  }
0x45: {  	[sflag:s12] =	ssyncset.done $0x0  }
0x46: {  	s19 =	simm.s32 $0x280;
	[sflag:s12] =	ssyncadd.s32 $0xFFFFEC00  }
0x47: {  	[tilespmem:s20], [sflag:$0x4] =	stream.indirect.gather [hbm4b:s4+s14], $0x40, s19, s14, $0xb8;
	[tilespmem:$0x15220] =	vst v63  }
0x48: {  	_ =	swait.ge [sflag:s28], $0x1400  }
0x49: {  	[sflag:s28] =	ssyncset.done $0x0  }
0x4a: {  	s21 =	simm.s32 $0x2850;
	[sflag:s28] =	ssyncadd.s32 $0xFFFFEC00  }
0x4b: {  	[spmem:s2] =	stream.indirect.scatter.add.f32 [tilespmem:s22], [sflag:$0x6], $0x40, s21, s14, $0xb8;
	[tilespmem:$0x15220] =	vst v63  }
0x4c: {  	_ =	swait.ge [sflag:s12], $0x1400  }
0x4d: {  	[sflag:s12] =	ssyncset.done $0x0  }
0x4e: {  	s17 =	simm.s32 $0x640;
	s19 =	simm.s32 $0x2D0;
	[sflag:s12] =	ssyncadd.s32 $0xFFFFEC00  }
.LBB2_2:
0x4f: {  	[tilespmem:s22], [sflag:$0x5] =	stream.indirect.gather [hbm4b:s4+s14], $0x40, s19, s14, $0xb8;
	[tilespmem:$0x15220] =	vst v63  }
0x50: {  	s19 =	smov.u32 s17  }
0x51: {  	p0 =	sne.s32 s17, $0x8FC0;
	s17 =	sadd.s32 $0x640, s17;
	_ =	swait.ge [sflag:s23], $0x1400  }
0x52: {  	s19 =	sshra.s32 s19, $0x2;
	[sflag:s23] =	ssyncset.done $0x0  }
0x53: {  	s21 =	sadd.s32 $0x2710, s19;
	[sflag:s23] =	ssyncadd.s32 $0xFFFFEC00  }
0x54: {  	[spmem:s2] =	stream.indirect.scatter.add.f32 [tilespmem:s15], [sflag:$0x6], $0x40, s21, s14, $0xb8;
	[tilespmem:$0x15220] =	vst v63  }
0x55: {  	_ =	swait.ge [sflag:s12], $0x1400  }
0x56: {  	[sflag:s12] =	ssyncset.done $0x0  }
0x57: {  	s21 =	sadd.s32 $0x190, s19;
	[sflag:s12] =	ssyncadd.s32 $0xFFFFEC00  }
0x58: {  	[tilespmem:s15], [sflag:$0x1] =	stream.indirect.gather [hbm4b:s4+s14], $0x40, s21, s14, $0xb8;
	[tilespmem:$0x15220] =	vst v63  }
0x59: {  	_ =	swait.ge [sflag:s24], $0x1400  }
0x5a: {  	[sflag:s24] =	ssyncset.done $0x0  }
0x5b: {  	s21 =	sadd.s32 $0x2760, s19;
	[sflag:s24] =	ssyncadd.s32 $0xFFFFEC00  }
0x5c: {  	[spmem:s2] =	stream.indirect.scatter.add.f32 [tilespmem:s16], [sflag:$0x6], $0x40, s21, s14, $0xb8;
	[tilespmem:$0x15220] =	vst v63  }
0x5d: {  	_ =	swait.ge [sflag:s12], $0x1400  }
0x5e: {  	[sflag:s12] =	ssyncset.done $0x0  }
0x5f: {  	s21 =	sadd.s32 $0x1E0, s19;
	[sflag:s12] =	ssyncadd.s32 $0xFFFFEC00  }
0x60: {  	[tilespmem:s16], [sflag:$0x2] =	stream.indirect.gather [hbm4b:s4+s14], $0x40, s21, s14, $0xb8;
	[tilespmem:$0x15220] =	vst v63  }
0x61: {  	_ =	swait.ge [sflag:s25], $0x1400  }
0x62: {  	[sflag:s25] =	ssyncset.done $0x0  }
0x63: {  	s21 =	sadd.s32 $0x27B0, s19;
	[sflag:s25] =	ssyncadd.s32 $0xFFFFEC00  }
0x64: {  	[spmem:s2] =	stream.indirect.scatter.add.f32 [tilespmem:s18], [sflag:$0x6], $0x40, s21, s14, $0xb8;
	[tilespmem:$0x15220] =	vst v63  }
0x65: {  	_ =	swait.ge [sflag:s12], $0x1400  }
0x66: {  	[sflag:s12] =	ssyncset.done $0x0  }
0x67: {  	s21 =	sadd.s32 $0x230, s19;
	[sflag:s12] =	ssyncadd.s32 $0xFFFFEC00  }
0x68: {  	[tilespmem:s18], [sflag:$0x3] =	stream.indirect.gather [hbm4b:s4+s14], $0x40, s21, s14, $0xb8;
	[tilespmem:$0x15220] =	vst v63  }
0x69: {  	_ =	swait.ge [sflag:s26], $0x1400  }
0x6a: {  	[sflag:s26] =	ssyncset.done $0x0  }
0x6b: {  	s21 =	sadd.s32 $0x2800, s19;
	[sflag:s26] =	ssyncadd.s32 $0xFFFFEC00  }
0x6c: {  	[spmem:s2] =	stream.indirect.scatter.add.f32 [tilespmem:s20], [sflag:$0x6], $0x40, s21, s14, $0xb8;
	[tilespmem:$0x15220] =	vst v63  }
0x6d: {  	_ =	swait.ge [sflag:s12], $0x1400  }
0x6e: {  	[sflag:s12] =	ssyncset.done $0x0  }
0x6f: {  	s21 =	sadd.s32 $0x280, s19;
	[sflag:s12] =	ssyncadd.s32 $0xFFFFEC00  }
0x70: {  	[tilespmem:s20], [sflag:$0x4] =	stream.indirect.gather [hbm4b:s4+s14], $0x40, s21, s14, $0xb8;
	[tilespmem:$0x15220] =	vst v63  }
0x71: {  	_ =	swait.ge [sflag:s28], $0x1400  }
0x72: {  	[sflag:s28] =	ssyncset.done $0x0  }
.Ltmp0:
0x73: {  	s21 =	sadd.s32 $0x2850, s19;
	[sflag:s28] =	ssyncadd.s32 $0xFFFFEC00;
	(pc) =	sbr.rel @p0 .LBB2_2-.Ltmp0, $4  }
0x74: {  	[spmem:s2] =	stream.indirect.scatter.add.f32 [tilespmem:s22], [sflag:$0x6], $0x40, s21, s14, $0xb8;
	[tilespmem:$0x15220] =	vst v63  }
0x75: {  	_ =	swait.ge [sflag:s12], $0x1400  }
0x76: {  	[sflag:s12] =	ssyncset.done $0x0  }
0x77: {  	s19 =	sadd.s32 $0x2D0, s19;
	[sflag:s12] =	ssyncadd.s32 $0xFFFFEC00  }
0x78: {  	[tilespmem:s22], [sflag:$0x5] =	stream.indirect.gather [hbm4b:s4+s14], $0x40, s19, s14, $0xb8;
	[tilespmem:$0x15220] =	vst v63  }
0x79: {  	_ =	swait.ge [sflag:s23], $0x1400  }
0x7a: {  	[sflag:s23] =	ssyncset.done $0x0  }
0x7b: {  	[sflag:s23] =	ssyncadd.s32 $0xFFFFEC00  }
0x7c: {  	[spmem:s2] =	stream.indirect.scatter.add.f32 [tilespmem:s15], [sflag:$0x6], $0x40, s29, s14, $0xb8;
	[tilespmem:$0x15220] =	vst v63  }
0x7d: {  	_ =	swait.ge [sflag:s12], $0x1400  }
0x7e: {  	[sflag:s12] =	ssyncset.done $0x0  }
0x7f: {  	[sflag:s12] =	ssyncadd.s32 $0xFFFFEC00  }
0x80: {  	_ =	swait.ge [sflag:s24], $0x1400  }
0x81: {  	[sflag:s24] =	ssyncset.done $0x0  }
0x82: {  	[sflag:s24] =	ssyncadd.s32 $0xFFFFEC00  }
0x83: {  	[spmem:s2] =	stream.indirect.scatter.add.f32 [tilespmem:s16], [sflag:$0x6], $0x40, s30, s14, $0xb8;
	[tilespmem:$0x15220] =	vst v63  }
0x84: {  	_ =	swait.ge [sflag:s12], $0x1400  }
0x85: {  	[sflag:s12] =	ssyncset.done $0x0  }
0x86: {  	[sflag:s12] =	ssyncadd.s32 $0xFFFFEC00  }
0x87: {  	_ =	swait.ge [sflag:s25], $0x1400  }
0x88: {  	[sflag:s25] =	ssyncset.done $0x0  }
0x89: {  	[sflag:s25] =	ssyncadd.s32 $0xFFFFEC00  }
0x8a: {  	[spmem:s2] =	stream.indirect.scatter.add.f32 [tilespmem:s18], [sflag:$0x6], $0x40, s31, s14, $0xb8;
	[tilespmem:$0x15220] =	vst v63  }
0x8b: {  	_ =	swait.ge [sflag:s12], $0x1400  }
0x8c: {  	[sflag:s12] =	ssyncset.done $0x0  }
0x8d: {  	[sflag:s12] =	ssyncadd.s32 $0xFFFFEC00  }
0x8e: {  	_ =	swait.ge [sflag:s26], $0x1400  }
0x8f: {  	[sflag:s26] =	ssyncset.done $0x0  }
0x90: {  	[sflag:s26] =	ssyncadd.s32 $0xFFFFEC00  }
0x91: {  	[spmem:s2] =	stream.indirect.scatter.add.f32 [tilespmem:s20], [sflag:$0x6], $0x40, s1, s14, $0xb8;
	[tilespmem:$0x15220] =	vst v63  }
0x92: {  	_ =	swait.ge [sflag:s12], $0x1400  }
0x93: {  	[sflag:s12] =	ssyncset.done $0x0  }
0x94: {  	[sflag:s12] =	ssyncadd.s32 $0xFFFFEC00  }
0x95: {  	_ =	swait.ge [sflag:s28], $0x1400  }
0x96: {  	[sflag:s28] =	ssyncset.done $0x0  }
0x97: {  	[sflag:s28] =	ssyncadd.s32 $0xFFFFEC00  }
0x98: {  	[spmem:s2] =	stream.indirect.scatter.add.f32 [tilespmem:s22], [sflag:$0x6], $0x40, s0, s14, $0xb8;
	[tilespmem:$0x15220] =	vst v63  }
0x99: {  	_ =	swait.ge [sflag:s12], $0x1400  }
0x9a: {  	s13 =	sadd.s32 $0x1, s13;
	[sflag:s12] =	ssyncset.done $0x0  }
0x9b: {  	p0 =	sne.s32 s13, s9;
	[sflag:s12] =	ssyncadd.s32 $0xFFFFEC00  }
.Ltmp1:
0x9c: {  	[bflag:$0x0] =	sbarrier.arrive $0xFFFF;
	(pc) =	sbr.rel @p0 .LBB2_1-.Ltmp1, $4  }
0x9d: {  	[hbm:s10], [sflag:s6] =	dma.local [spmem:s11], $0x1400  }
0x9e: {  	_ =	swait.ge [sflag:s12], $0x1400  }
0x9f: {  	[sflag:s12] =	ssyncset.done $0x0  }
0xa0: {  	[sflag:s12] =	ssyncadd.s32 $0xFFFFEC00  }
0xa1: {  	_ =	sfence.sel $0x180000  }
0xa2: {  	[bflag:$0x0] =	sbarrier.arrive $0xFFFF  }
0xa3: {  	_ =	strace $0x9000004A  }
0xa4: {  	s0 =	stileid.u32;
	[bflag:$0x2] =	sbarrier.arrive $0xFFFF  }
0xa5: {  	p0 =	sne.s32 s0, $0x0;
	s0 =	rddreg [dreg:$0x3]  }
0xa6: {  	s0 =	sadd.s32 @!p0 $0x100000, s0  }
0xa7: {  	[sflag:s0] =	ssyncadd.tile.s32 @!p0 $0x1;
	_ =	shalt  }
.Lfunc_end2:
_tile_overlayer_lowered:
.L_overlay_start_2:
0xa8: {  	(tag) =	ssettag $0x2  }
0xa9: {  	s0 =	rddreg [dreg:$0x0];
	s2 =	stileid.u32  }
0xaa: {  	s1 =	rddreg [dreg:$0x1];
	p0 =	sne.s32 s2, $0x0  }
0xab: {  	s3 =	rddreg [dreg:$0x2];
	[bflag:$0x3] =	sbarrier.arrive $0xFFFF;
	s2 =	simm.s32 @!p0 $0x1C06  }
0xac: {  	[timem:s3], [sflag:s2] =	dma.local @!p0 [hbm:s0], s1  }
0xad: {  	s0 =	simm.s32 @!p0 $0x6  }
0xae: {  	_ =	swait.ge @!p0 [sflag:s0], s1  }
0xaf: {  	s1 =	ssub.s32 @!p0 $0x0, s1;
	[sflag:s0] =	ssyncset.done @!p0 $0x0  }
0xb0: {  	[sflag:s0] =	ssyncadd.s32 @!p0 s1  }
0xb1: {  	[bflag:$0x3] =	sbarrier.arrive $0xFFFF  }
0xb2: {  	_ =	shalt  }

// kernel: kernel.14.cloned.1.call-start
scs
__scs_entry_jumppad:
0x0: {  	(pc) =	sbr.rel $0x88, $3  }
0x1: {  	(tag) =	ssettag $0x0;
	lr =	simm.s32 $0x1  }
0x2: {  	[smem:$0x3F9B] =	sst lr;
	_ =	strace $0xD0000000  }
0x3: {  	_ = 	snop  }
0x4: {  	_ = 	snop  }
0x5: {  	_ = 	snop  }
0x6: {  	_ = 	snop  }
0x7: {  	_ = 	snop  }
__scs_overlays_trampoline_lowered:
0x8: {  	[smem:$0x3FAA] =	sst s0  }
0x9: {  	[smem:$0x3FAB] =	sst s1  }
0xa: {  	[smem:$0x3FAC] =	sst s2  }
0xb: {  	[smem:$0x3FAD] =	sst s3  }
0xc: {  	[smem:$0x3FAE] =	sst s4  }
0xd: {  	[smem:$0x3FAF] =	sst s5  }
0xe: {  	[smem:$0x3FB0] =	sst s6  }
0xf: {  	[smem:$0x3FB1] =	sst s7  }
0x10: {  	[smem:$0x3FB2] =	sst s8  }
0x11: {  	[smem:$0x3FB3] =	sst s9;
	s0 =	simm.s32 @!p0 $0x0  }
0x12: {  	s1 =	sld [smem:$0x3F99];
	s0 =	simm.s32 @p0 $0x1  }
0x13: {  	[smem:$0x3FB4] =	sst s0;
	s0 =	simm.s32 @!p1 $0x0  }
0x14: {  	s2 =	sld [smem:$0x3F98];
	s0 =	simm.s32 @p1 $0x1  }
0x15: {  	[smem:$0x3FB5] =	sst s0;
	s0 =	simm.s32 @!p2 $0x0  }
0x16: {  	s3 =	sld [smem:$0x3FDB];
	s0 =	simm.s32 @p2 $0x1  }
0x17: {  	s4 =	simm.s32 $0x1BF5;
	[smem:$0x3FB7] =	sst s0  }
0x18: {  	s0 =	sld [smem:$0x3F9A];
	_ =	swait.ge [sflag:s4], $0x0  }
0x19: {  	s7 =	sld [smem:$0x3F9B]  }
0x1a: {  	s8 =	sadd.s32 $0xFFFFE003, lr  }
0x1b: {  	s9 =	sadd.s32 $0xFFFFFEF7, lr;
	s5 =	simm.s32 $0xFFFFFFFF;
	p2 =	slt.u32 s8, $0xFFFFF086  }
0x1c: {  	p1 =	slt.u32 s9, $0xF7A;
	s5 =	simm.s32 @!p2 $0x0  }
0x1d: {  	s5 =	simm.s32 @p1 $0x1;
	p0 =	seq.s32 s7, s2  }
0x1e: {  	s7 =	smul.u32 @!p0 $0xF7A, s2;
	p2 =	seq.s32 @!p0 s5, $0x0  }
0x1f: {  	s9 =	smul.u32 $0xF7A, s1;
	s8 =	simm.s32 @!p0 $0x1BF5;
	p2 =	por !p2, p0  }
0x20: {  	[sflag:s8] =	ssyncset.s32 @!p0 $0xFFFFF086;
	s6 =	sadd.s32 @!p0 s3, s7;
	s7 =	simm.s32 @!p0 $0x108  }
0x21: {  	s3 =	sadd.s32 s3, s9;
	s6 =	sadd.s32 @!p0 $0x88, s6;
	s7 =	simm.s32 @p2 $0x1082  }
0x22: {  	[simem:s7], [sflag:s8] =	dma.local @!p0 [hbm:s6], $0xF7A  }
0x23: {  	s9 =	sor.u32 $0xD0000000, s2;
	s6 =	simm.s32 $0x108;
	_ =	swait.ge @!p0 [sflag:s8], $0x0  }
0x24: {  	s3 =	sadd.s32 $0x88, s3;
	s6 =	simm.s32 @!p1 $0x1082;
	[sflag:s4] =	ssyncset.s32 $0xFFFFF086  }
0x25: {  	[simem:s6], [sflag:s4] =	dma.local [hbm:s3], $0xF7A  }
0x26: {  	[smem:$0x3F9B] =	sst s1;
	(tag) =	ssettag s2;
	_ =	strace s9  }
0x27: {  	s1 =	sld [smem:$0x3FAB]  }
0x28: {  	s2 =	sld [smem:$0x3FAC]  }
0x29: {  	s4 =	sld [smem:$0x3FAE]  }
0x2a: {  	p0 =	seq.s32 s5, $0x0;
	s5 =	sld [smem:$0x3FAF]  }
0x2b: {  	s6 =	sld [smem:$0x3FB0]  }
0x2c: {  	s7 =	sld [smem:$0x3FB1]  }
0x2d: {  	s3 =	simm.s32 $0x108;
	s8 =	sld [smem:$0x3FB2]  }
0x2e: {  	s3 =	simm.s32 @!p0 $0x1082;
	s9 =	sld [smem:$0x3FB3]  }
0x2f: {  	lr =	sadd.s32 s0, s3;
	s0 =	sld [smem:$0x3FAA]  }
0x30: {  	s3 =	sld [smem:$0x3FAD]  }
0x31: {  	[smem:$0x3FB6] =	sst s10  }
0x32: {  	s10 =	sld [smem:$0x3FB4];
	_ =	sdelay $0x3  }
0x33: {  	p0 =	seq.s32 s10, $0x1;
	s10 =	sld [smem:$0x3FB6];
	_ =	sdelay $0x3  }
0x34: {  	[smem:$0x3FB6] =	sst s10  }
0x35: {  	s10 =	sld [smem:$0x3FB5];
	_ =	sdelay $0x3  }
0x36: {  	p1 =	seq.s32 s10, $0x1;
	s10 =	sld [smem:$0x3FB6];
	_ =	sdelay $0x3  }
0x37: {  	[smem:$0x3FB6] =	sst s10  }
0x38: {  	s10 =	sld [smem:$0x3FB7]  }
0x39: {  	_ = 	snop;
	(pc) =	sbr.ind lr, $3  }
0x3a: {  	_ = 	snop  }
0x3b: {  	_ = 	snop  }
0x3c: {  	p2 =	seq.s32 s10, $0x1;
	s10 =	sld [smem:$0x3FB6]  }
0x3d: {  	_ =	shalt  }
0x3e: {  	_ =	shalt  }
0x3f: {  	_ =	shalt  }
0x40: {  	_ =	shalt  }
0x41: {  	_ =	shalt  }
0x42: {  	_ =	shalt  }
0x43: {  	_ =	shalt  }
0x44: {  	_ =	shalt  }
0x45: {  	_ =	shalt  }
0x46: {  	_ =	shalt  }
0x47: {  	_ =	shalt  }
0x48: {  	_ =	shalt  }
0x49: {  	_ =	shalt  }
0x4a: {  	_ =	shalt  }
0x4b: {  	_ =	shalt  }
0x4c: {  	_ =	shalt  }
0x4d: {  	_ =	shalt  }
0x4e: {  	_ =	shalt  }
0x4f: {  	_ =	shalt  }
0x50: {  	_ =	shalt  }
0x51: {  	_ =	shalt  }
0x52: {  	_ =	shalt  }
0x53: {  	_ =	shalt  }
0x54: {  	_ =	shalt  }
0x55: {  	_ =	shalt  }
0x56: {  	_ =	shalt  }
0x57: {  	_ =	shalt  }
0x58: {  	_ =	shalt  }
0x59: {  	_ =	shalt  }
0x5a: {  	_ =	shalt  }
0x5b: {  	_ =	shalt  }
0x5c: {  	_ =	shalt  }
0x5d: {  	_ =	shalt  }
0x5e: {  	_ =	shalt  }
0x5f: {  	_ =	shalt  }
0x60: {  	_ =	shalt  }
0x61: {  	_ =	shalt  }
0x62: {  	_ =	shalt  }
0x63: {  	_ =	shalt  }
0x64: {  	_ =	shalt  }
0x65: {  	_ =	shalt  }
0x66: {  	_ =	shalt  }
0x67: {  	_ =	shalt  }
0x68: {  	_ =	shalt  }
0x69: {  	_ =	shalt  }
0x6a: {  	_ =	shalt  }
0x6b: {  	_ =	shalt  }
0x6c: {  	_ =	shalt  }
0x6d: {  	_ =	shalt  }
0x6e: {  	_ =	shalt  }
0x6f: {  	_ =	shalt  }
0x70: {  	_ =	shalt  }
0x71: {  	_ =	shalt  }
0x72: {  	_ =	shalt  }
0x73: {  	_ =	shalt  }
0x74: {  	_ =	shalt  }
0x75: {  	_ =	shalt  }
0x76: {  	_ =	shalt  }
0x77: {  	_ =	shalt  }
0x78: {  	_ =	shalt  }
0x79: {  	_ =	shalt  }
0x7a: {  	_ =	shalt  }
0x7b: {  	_ =	shalt  }
0x7c: {  	_ =	shalt  }
0x7d: {  	_ =	shalt  }
0x7e: {  	_ =	shalt  }
0x7f: {  	_ =	shalt  }
0x80: {  	_ =	shalt  }
0x81: {  	_ =	shalt  }
0x82: {  	_ =	shalt  }
0x83: {  	_ =	shalt  }
0x84: {  	_ =	shalt  }
0x85: {  	_ =	shalt  }
0x86: {  	_ =	shalt  }
0x87: {  	_ =	shalt  }
.Lfunc_end0:
.L_simem_size_0:
called_computation.2_lowered:
.L_overlay_start_0:
0x88: {  	s2 =	sld [smem:$0x3FD9]  }
0x89: {  	s3 =	sld [smem:$0x3FFE];
	_ =	sdelay $0x1  }
0x8a: {  	s1 =	srdreg.scid  }
0x8b: {  	s0 =	sand.u32 $0x1, s1  }
0x8c: {  	s17 =	sshll.u32 s0, $0xA;
	s2 =	sadd.s32 s3, s2  }
0x8d: {  	s2 =	sadd.s32 s2, s17  }
0x8e: {  	[smem:$0x3FC2] =	sst s2  }
0x8f: {  	_ = 	snop  }
0x90: {  	s2 =	sld [smem:$0x3FD0];
	(tm) =	ssettm $0x1  }
0x91: {  	s18 =	sld [smem:$0x3FFB];
	_ =	sdelay $0x3  }
0x92: {  	_ =	strace s18  }
0x93: {  	s3 =	sld [smem:$0x3FFC];
	_ =	sdelay $0x3  }
0x94: {  	_ =	strace s3  }
0x95: {  	s3 =	sld [smem:$0x3FFD];
	_ =	sdelay $0x3  }
0x96: {  	_ =	strace s3  }
0x97: {  	_ =	strace $0x8FFFFFFF  }
0x98: {  	s19 =	sld [smem:$0x3FDB];
	_ =	sdelay $0x1  }
0x99: {  	s4 =	simm.s32 $_scs_section_size  }
0x9a: {  	s5 =	simm.s32 $_size__tile_overlayer_lowered;
	s6 =	simm.s32 $_tile_overlayer_lowered  }
0x9b: {  	s22 =	simm.s32 $0x1BFF;
	s21 =	sshll.u32 s6, $0x1;
	s3 =	sadd.s32 s4, s19  }
0x9c: {  	s7 =	simm.s32 $0x0;
	s20 =	sshll.u32 s5, $0x1;
	s5 =	sadd.s32 s21, s3  }
0x9d: {  	[timem:s7], [sflag:s22] =	dma.local [hbm:s5], s20  }
0x9e: {  	_ =	swait.ge [sflag:s22], s20  }
0x9f: {  	s4 =	ssub.s32 $0x0, s20;
	[sflag:s22] =	ssyncset.done $0x0  }
0xa0: {  	[sflag:s22] =	ssyncadd.s32 s4;
	_ =	sdelay $0x1  }
0xa1: {  	s23 =	simm.s32 $0x1B8B  }
0xa2: {  	_ =	swait.ge [sflag:s23], $0x1  }
0xa3: {  	[sflag:s23] =	ssyncset.done $0x0  }
0xa4: {  	s25 =	simm.s32 $0x1B8E;
	s24 =	sld [smem:$0x3FFE];
	[sflag:s23] =	ssyncadd.s32 $0xFFFFFFFF  }
0xa5: {  	s26 =	simm.s32 $execute0_lowered;
	[smem:$0x3FD2] =	sst s25  }
0xa6: {  	s5 =	sshll.u32 s26, $0x1;
	_ =	strace $0x8000004C;
	[dreg:$0x1] =	wrdreg $0xFFFFFFFF  }
0xa7: {  	s28 =	simm.s32 $_size_execute0_lowered;
	s3 =	sadd.s32 s3, s5;
	[dreg:$0x0] =	wrdreg $0x0  }
0xa8: {  	s5 =	sshll.u32 s28, $0x1;
	[dreg:$0x2] =	wrdreg s3  }
0xa9: {  	[dreg:$0x3] =	wrdreg s5  }
0xaa: {  	[dreg:$0x4] =	wrdreg $0xC0  }
0xab: {  	_ =	task [dreg:s7], $0x5FFFF  }
0xac: {  	[dreg:$0x1] =	wrdreg $0xFFFFFFFF  }
0xad: {  	[dreg:$0x0] =	wrdreg $0x60  }
0xae: {  	[dreg:$0x2] =	wrdreg s24  }
0xaf: {  	[dreg:$0x3] =	wrdreg s2  }
0xb0: {  	[dreg:$0x4] =	wrdreg $0xB2200  }
0xb1: {  	[dreg:$0x5] =	wrdreg $0x9  }
0xb2: {  	_ =	task.clear_ibuf [dreg:s7], $0x6FFFF;
	_ =	strace $0x9000004C  }
0xb3: {  	s29 =	simm.s32 $0x9;
	_ =	strace $0x8000004E  }
0xb4: {  	_ =	swait.ge [sflag:s29], $0x1  }
0xb5: {  	[sflag:s29] =	ssyncadd.s32 $0xFFFFFFFF  }
0xb6: {  	_ =	strace $0x9000004E  }
0xb7: {  	_ =	sfence  }
0xb8: {  	s30 =	sld [smem:$0x0];
	_ =	sdelay $0x2  }
0xb9: {  	s31 =	sshll.u32 s1, $0xD;
	s1 =	sshrl.u32 s1, $0x2  }
0xba: {  	s3 =	sand.u32 $0x4000, s31;
	s1 =	sadd.s32 s1, s30  }
0xbb: {  	s0 =	sor.u32 s3, s0;
	s1 =	sshll.u32 s1, $0x11  }
0xbc: {  	s0 =	sor.u32 s1, s0  }
0xbd: {  	s0 =	sadd.s32 $0x8F2B, s0  }
0xbe: {  	[sflag:s0] =	ssyncadd.remote.s32 $0x1  }
0xbf: {  	_ =	sfence.sel $0xFFFF  }
0xc0: {  	[dreg:$0x0] =	wrdreg $0xFFFFFFFF;
	(pc) =	sbr.abs _section_cstart, $3  }
0xc1: {  	[dreg:$0x1] =	wrdreg $0xFFFFFFFF  }
0xc2: {  	_ =	task.clear_ibuf [dreg:s7], $0x2FFFF;
	_ =	strace $0x9FFFFFFF  }
0xc3: {  	(tm) =	ssettm $0x7FFFFFFF  }
tec
execute0_lowered:
.L_overlay_start_1:
0x0: {  	(tag) =	ssettag $0x1  }
0x1: {  	s0 =	rddreg [dreg:$0x0];
	s1 =	srdreg.scid  }
0x2: {  	s11 =	stileid.u32;
	s10 =	rddreg [dreg:$0x1]  }
0x3: {  	s2 =	rddreg [dreg:$0x2];
	s14 =	simm.s32 $0x50;
	s15 =	simm.s32 $0x4E20  }
0x4: {  	s16 =	simm.s32 $0x6220;
	s18 =	simm.s32 $0x7620;
	s20 =	simm.s32 $0x8A20  }
0x5: {  	s22 =	simm.s32 $0x9E20;
	s23 =	simm.s32 $0x1;
	s24 =	simm.s32 $0x2  }
0x6: {  	s25 =	simm.s32 $0x3;
	s28 =	simm.s32 $0x5;
	s29 =	simm.s32 $0x4C90  }
0x7: {  	s30 =	simm.s32 $0x4CE0;
	s31 =	simm.s32 $0x4D30;
	s1 =	sand.u32 $0x1, s1  }
0x8: {  	s3 =	sshll.u32 s11, $0x1;
	s9 =	smul.u32 $0xA000, s11;
	s11 =	sshll.u32 s11, $0x6  }
0x9: {  	s4 =	sor.u32 s1, s3;
	s3 =	simm.s32 $0x0;
	s6 =	ssub.s32 $0x2, s1  }
0xa: {  	p0 =	seq.s32 s1, $0x1;
	s1 =	simm.s32 $0x4D80;
	s5 =	smul.u32 $0x4E2, s4  }
0xb: {  	[smem:$0x7FF] =	sst s3;
	s4 =	sadd.s32 $0x16200, s0;
	s7 =	sshrl.u32 s6, $0x1  }
0xc: {  	s13 =	sadd.s32 s9, s2;
	s26 =	sshrl.u32 s9, $0x3;
	_ =	strace $0x8000004D  }
0xd: {  	s12 =	ssub.s32 s6, s7;
	s6 =	sor.u32 $0x1C06, s11;
	s11 =	sshrl.u32 s13, $0x3  }
0xe: {  	s13 =	simm.s32 $0x0;
	s8 =	sadd.s32 s5, s0;
	s5 =	sadd.s32 $0x29C00, s0  }
0xf: {  	s0 =	sadd.s32 $0x2B000, s0;
	s9 =	smax.u32 s12, $0x1;
	s12 =	simm.s32 $0x6  }
0x10: {  	s7 =	sadd.s32 $0x2600, s8;
	s8 =	sadd.s32 $0xC400, s8;
	s10 =	smov.u32 @p0 s0  }
0x11: {  	s0 =	simm.s32 $0x4DD0;
	s10 =	sadd.s32 s10, s26;
	s26 =	simm.s32 $0x4  }
.LBB2_1:
0x12: {  	[spmem:s11], [sflag:s6] =	dma.local [hbm:s5], $0x1400  }
0x13: {  	_ =	swait.ge [sflag:s12], $0x1400  }
0x14: {  	[sflag:s12] =	ssyncset.done $0x0  }
0x15: {  	[sflag:s12] =	ssyncadd.s32 $0xFFFFEC00  }
0x16: {  	[tilespmem:s3], [sflag:$0x6] =	stream.linear.gather [hbm4b:s7+s3], $0x2710, $0x38;
	[tilespmem:$0x15220] =	vst v63  }
0x17: {  	_ =	swait.ge [sflag:s12], $0x2710  }
0x18: {  	[sflag:s12] =	ssyncset.done $0x0  }
0x19: {  	s17 =	simm.s32 $0x2710;
	[sflag:s12] =	ssyncadd.s32 $0xFFFFD8F0  }
0x1a: {  	[tilespmem:s17], [sflag:$0x6] =	stream.linear.gather [hbm4b:s8+s3], $0x2710, $0x38;
	[tilespmem:$0x15220] =	vst v63  }
0x1b: {  	_ =	swait.ge [sflag:s12], $0x2710  }
0x1c: {  	[sflag:s12] =	ssyncset.done $0x0  }
0x1d: {  	[sflag:s12] =	ssyncadd.s32 $0xFFFFD8F0  }
0x1e: {  	[tilespmem:s15], [sflag:$0x1] =	stream.indirect.gather [hbm4b:s4+s14], $0x40, s3, s14, $0xb8;
	[tilespmem:$0x15220] =	vst v63  }
0x1f: {  	_ = 	snop  }
0x20: {  	[tilespmem:s16], [sflag:$0x2] =	stream.indirect.gather [hbm4b:s4+s14], $0x40, s14, s14, $0xb8;
	[tilespmem:$0x15220] =	vst v63  }
0x21: {  	s19 =	simm.s32 $0xA0  }
0x22: {  	[tilespmem:s18], [sflag:$0x3] =	stream.indirect.gather [hbm4b:s4+s14], $0x40, s19, s14, $0xb8;
	[tilespmem:$0x15220] =	vst v63  }
0x23: {  	s21 =	simm.s32 $0xF0  }
0x24: {  	[tilespmem:s20], [sflag:$0x4] =	stream.indirect.gather [hbm4b:s4+s14], $0x40, s21, s14, $0xb8;
	[tilespmem:$0x15220] =	vst v63  }
0x25: {  	s19 =	simm.s32 $0x140  }
0x26: {  	[tilespmem:s22], [sflag:$0x5] =	stream.indirect.gather [hbm4b:s4+s14], $0x40, s19, s14, $0xb8;
	[tilespmem:$0x15220] =	vst v63  }
0x27: {  	[bflag:$0x0] =	sbarrier.arrive $0xFFFF  }
0x28: {  	_ =	swait.ge [sflag:s23], $0x1400  }
0x29: {  	[sflag:s23] =	ssyncset.done $0x0  }
0x2a: {  	s21 =	simm.s32 $0x2710;
	[sflag:s23] =	ssyncadd.s32 $0xFFFFEC00  }
0x2b: {  	[spmem:s2] =	stream.indirect.scatter.add.f32 [tilespmem:s15], [sflag:$0x6], $0x40, s21, s14, $0xb8;
	[tilespmem:$0x15220] =	vst v63  }
0x2c: {  	_ =	swait.ge [sflag:s12], $0x1400  }
0x2d: {  	[sflag:s12] =	ssyncset.done $0x0  }
0x2e: {  	s19 =	simm.s32 $0x190;
	[sflag:s12] =	ssyncadd.s32 $0xFFFFEC00  }
0x2f: {  	[tilespmem:s15], [sflag:$0x1] =	stream.indirect.gather [hbm4b:s4+s14], $0x40, s19, s14, $0xb8;
	[tilespmem:$0x15220] =	vst v63  }
0x30: {  	_ =	swait.ge [sflag:s24], $0x1400  }
0x31: {  	[sflag:s24] =	ssyncset.done $0x0  }
0x32: {  	s21 =	simm.s32 $0x2760;
	[sflag:s24] =	ssyncadd.s32 $0xFFFFEC00  }
0x33: {  	[spmem:s2] =	stream.indirect.scatter.add.f32 [tilespmem:s16], [sflag:$0x6], $0x40, s21, s14, $0xb8;
	[tilespmem:$0x15220] =	vst v63  }
0x34: {  	_ =	swait.ge [sflag:s12], $0x1400  }
0x35: {  	[sflag:s12] =	ssyncset.done $0x0  }
0x36: {  	s19 =	simm.s32 $0x1E0;
	[sflag:s12] =	ssyncadd.s32 $0xFFFFEC00  }
0x37: {  	[tilespmem:s16], [sflag:$0x2] =	stream.indirect.gather [hbm4b:s4+s14], $0x40, s19, s14, $0xb8;
	[tilespmem:$0x15220] =	vst v63  }
0x38: {  	_ =	swait.ge [sflag:s25], $0x1400  }
0x39: {  	[sflag:s25] =	ssyncset.done $0x0  }
0x3a: {  	s21 =	simm.s32 $0x27B0;
	[sflag:s25] =	ssyncadd.s32 $0xFFFFEC00  }
0x3b: {  	[spmem:s2] =	stream.indirect.scatter.add.f32 [tilespmem:s18], [sflag:$0x6], $0x40, s21, s14, $0xb8;
	[tilespmem:$0x15220] =	vst v63  }
0x3c: {  	_ =	swait.ge [sflag:s12], $0x1400  }
0x3d: {  	[sflag:s12] =	ssyncset.done $0x0  }
0x3e: {  	s19 =	simm.s32 $0x230;
	[sflag:s12] =	ssyncadd.s32 $0xFFFFEC00  }
0x3f: {  	[tilespmem:s18], [sflag:$0x3] =	stream.indirect.gather [hbm4b:s4+s14], $0x40, s19, s14, $0xb8;
	[tilespmem:$0x15220] =	vst v63  }
0x40: {  	_ =	swait.ge [sflag:s26], $0x1400  }
0x41: {  	[sflag:s26] =	ssyncset.done $0x0  }
0x42: {  	s21 =	simm.s32 $0x2800;
	[sflag:s26] =	ssyncadd.s32 $0xFFFFEC00  }
0x43: {  	[spmem:s2] =	stream.indirect.scatter.add.f32 [tilespmem:s20], [sflag:$0x6], $0x40, s21, s14, $0xb8;
	[tilespmem:$0x15220] =	vst v63  }
0x44: {  	_ =	swait.ge [sflag:s12], $0x1400  }
0x45: {  	[sflag:s12] =	ssyncset.done $0x0  }
0x46: {  	s19 =	simm.s32 $0x280;
	[sflag:s12] =	ssyncadd.s32 $0xFFFFEC00  }
0x47: {  	[tilespmem:s20], [sflag:$0x4] =	stream.indirect.gather [hbm4b:s4+s14], $0x40, s19, s14, $0xb8;
	[tilespmem:$0x15220] =	vst v63  }
0x48: {  	_ =	swait.ge [sflag:s28], $0x1400  }
0x49: {  	[sflag:s28] =	ssyncset.done $0x0  }
0x4a: {  	s21 =	simm.s32 $0x2850;
	[sflag:s28] =	ssyncadd.s32 $0xFFFFEC00  }
0x4b: {  	[spmem:s2] =	stream.indirect.scatter.add.f32 [tilespmem:s22], [sflag:$0x6], $0x40, s21, s14, $0xb8;
	[tilespmem:$0x15220] =	vst v63  }
0x4c: {  	_ =	swait.ge [sflag:s12], $0x1400  }
0x4d: {  	[sflag:s12] =	ssyncset.done $0x0  }
0x4e: {  	s17 =	simm.s32 $0x640;
	s19 =	simm.s32 $0x2D0;
	[sflag:s12] =	ssyncadd.s32 $0xFFFFEC00  }
.LBB2_2:
0x4f: {  	[tilespmem:s22], [sflag:$0x5] =	stream.indirect.gather [hbm4b:s4+s14], $0x40, s19, s14, $0xb8;
	[tilespmem:$0x15220] =	vst v63  }
0x50: {  	s19 =	smov.u32 s17  }
0x51: {  	p0 =	sne.s32 s17, $0x8FC0;
	s17 =	sadd.s32 $0x640, s17;
	_ =	swait.ge [sflag:s23], $0x1400  }
0x52: {  	s19 =	sshra.s32 s19, $0x2;
	[sflag:s23] =	ssyncset.done $0x0  }
0x53: {  	s21 =	sadd.s32 $0x2710, s19;
	[sflag:s23] =	ssyncadd.s32 $0xFFFFEC00  }
0x54: {  	[spmem:s2] =	stream.indirect.scatter.add.f32 [tilespmem:s15], [sflag:$0x6], $0x40, s21, s14, $0xb8;
	[tilespmem:$0x15220] =	vst v63  }
0x55: {  	_ =	swait.ge [sflag:s12], $0x1400  }
0x56: {  	[sflag:s12] =	ssyncset.done $0x0  }
0x57: {  	s21 =	sadd.s32 $0x190, s19;
	[sflag:s12] =	ssyncadd.s32 $0xFFFFEC00  }
0x58: {  	[tilespmem:s15], [sflag:$0x1] =	stream.indirect.gather [hbm4b:s4+s14], $0x40, s21, s14, $0xb8;
	[tilespmem:$0x15220] =	vst v63  }
0x59: {  	_ =	swait.ge [sflag:s24], $0x1400  }
0x5a: {  	[sflag:s24] =	ssyncset.done $0x0  }
0x5b: {  	s21 =	sadd.s32 $0x2760, s19;
	[sflag:s24] =	ssyncadd.s32 $0xFFFFEC00  }
0x5c: {  	[spmem:s2] =	stream.indirect.scatter.add.f32 [tilespmem:s16], [sflag:$0x6], $0x40, s21, s14, $0xb8;
	[tilespmem:$0x15220] =	vst v63  }
0x5d: {  	_ =	swait.ge [sflag:s12], $0x1400  }
0x5e: {  	[sflag:s12] =	ssyncset.done $0x0  }
0x5f: {  	s21 =	sadd.s32 $0x1E0, s19;
	[sflag:s12] =	ssyncadd.s32 $0xFFFFEC00  }
0x60: {  	[tilespmem:s16], [sflag:$0x2] =	stream.indirect.gather [hbm4b:s4+s14], $0x40, s21, s14, $0xb8;
	[tilespmem:$0x15220] =	vst v63  }
0x61: {  	_ =	swait.ge [sflag:s25], $0x1400  }
0x62: {  	[sflag:s25] =	ssyncset.done $0x0  }
0x63: {  	s21 =	sadd.s32 $0x27B0, s19;
	[sflag:s25] =	ssyncadd.s32 $0xFFFFEC00  }
0x64: {  	[spmem:s2] =	stream.indirect.scatter.add.f32 [tilespmem:s18], [sflag:$0x6], $0x40, s21, s14, $0xb8;
	[tilespmem:$0x15220] =	vst v63  }
0x65: {  	_ =	swait.ge [sflag:s12], $0x1400  }
0x66: {  	[sflag:s12] =	ssyncset.done $0x0  }
0x67: {  	s21 =	sadd.s32 $0x230, s19;
	[sflag:s12] =	ssyncadd.s32 $0xFFFFEC00  }
0x68: {  	[tilespmem:s18], [sflag:$0x3] =	stream.indirect.gather [hbm4b:s4+s14], $0x40, s21, s14, $0xb8;
	[tilespmem:$0x15220] =	vst v63  }
0x69: {  	_ =	swait.ge [sflag:s26], $0x1400  }
0x6a: {  	[sflag:s26] =	ssyncset.done $0x0  }
0x6b: {  	s21 =	sadd.s32 $0x2800, s19;
	[sflag:s26] =	ssyncadd.s32 $0xFFFFEC00  }
0x6c: {  	[spmem:s2] =	stream.indirect.scatter.add.f32 [tilespmem:s20], [sflag:$0x6], $0x40, s21, s14, $0xb8;
	[tilespmem:$0x15220] =	vst v63  }
0x6d: {  	_ =	swait.ge [sflag:s12], $0x1400  }
0x6e: {  	[sflag:s12] =	ssyncset.done $0x0  }
0x6f: {  	s21 =	sadd.s32 $0x280, s19;
	[sflag:s12] =	ssyncadd.s32 $0xFFFFEC00  }
0x70: {  	[tilespmem:s20], [sflag:$0x4] =	stream.indirect.gather [hbm4b:s4+s14], $0x40, s21, s14, $0xb8;
	[tilespmem:$0x15220] =	vst v63  }
0x71: {  	_ =	swait.ge [sflag:s28], $0x1400  }
0x72: {  	[sflag:s28] =	ssyncset.done $0x0  }
.Ltmp0:
0x73: {  	s21 =	sadd.s32 $0x2850, s19;
	[sflag:s28] =	ssyncadd.s32 $0xFFFFEC00;
	(pc) =	sbr.rel @p0 .LBB2_2-.Ltmp0, $4  }
0x74: {  	[spmem:s2] =	stream.indirect.scatter.add.f32 [tilespmem:s22], [sflag:$0x6], $0x40, s21, s14, $0xb8;
	[tilespmem:$0x15220] =	vst v63  }
0x75: {  	_ =	swait.ge [sflag:s12], $0x1400  }
0x76: {  	[sflag:s12] =	ssyncset.done $0x0  }
0x77: {  	s19 =	sadd.s32 $0x2D0, s19;
	[sflag:s12] =	ssyncadd.s32 $0xFFFFEC00  }
0x78: {  	[tilespmem:s22], [sflag:$0x5] =	stream.indirect.gather [hbm4b:s4+s14], $0x40, s19, s14, $0xb8;
	[tilespmem:$0x15220] =	vst v63  }
0x79: {  	_ =	swait.ge [sflag:s23], $0x1400  }
0x7a: {  	[sflag:s23] =	ssyncset.done $0x0  }
0x7b: {  	[sflag:s23] =	ssyncadd.s32 $0xFFFFEC00  }
0x7c: {  	[spmem:s2] =	stream.indirect.scatter.add.f32 [tilespmem:s15], [sflag:$0x6], $0x40, s29, s14, $0xb8;
	[tilespmem:$0x15220] =	vst v63  }
0x7d: {  	_ =	swait.ge [sflag:s12], $0x1400  }
0x7e: {  	[sflag:s12] =	ssyncset.done $0x0  }
0x7f: {  	[sflag:s12] =	ssyncadd.s32 $0xFFFFEC00  }
0x80: {  	_ =	swait.ge [sflag:s24], $0x1400  }
0x81: {  	[sflag:s24] =	ssyncset.done $0x0  }
0x82: {  	[sflag:s24] =	ssyncadd.s32 $0xFFFFEC00  }
0x83: {  	[spmem:s2] =	stream.indirect.scatter.add.f32 [tilespmem:s16], [sflag:$0x6], $0x40, s30, s14, $0xb8;
	[tilespmem:$0x15220] =	vst v63  }
0x84: {  	_ =	swait.ge [sflag:s12], $0x1400  }
0x85: {  	[sflag:s12] =	ssyncset.done $0x0  }
0x86: {  	[sflag:s12] =	ssyncadd.s32 $0xFFFFEC00  }
0x87: {  	_ =	swait.ge [sflag:s25], $0x1400  }
0x88: {  	[sflag:s25] =	ssyncset.done $0x0  }
0x89: {  	[sflag:s25] =	ssyncadd.s32 $0xFFFFEC00  }
0x8a: {  	[spmem:s2] =	stream.indirect.scatter.add.f32 [tilespmem:s18], [sflag:$0x6], $0x40, s31, s14, $0xb8;
	[tilespmem:$0x15220] =	vst v63  }
0x8b: {  	_ =	swait.ge [sflag:s12], $0x1400  }
0x8c: {  	[sflag:s12] =	ssyncset.done $0x0  }
0x8d: {  	[sflag:s12] =	ssyncadd.s32 $0xFFFFEC00  }
0x8e: {  	_ =	swait.ge [sflag:s26], $0x1400  }
0x8f: {  	[sflag:s26] =	ssyncset.done $0x0  }
0x90: {  	[sflag:s26] =	ssyncadd.s32 $0xFFFFEC00  }
0x91: {  	[spmem:s2] =	stream.indirect.scatter.add.f32 [tilespmem:s20], [sflag:$0x6], $0x40, s1, s14, $0xb8;
	[tilespmem:$0x15220] =	vst v63  }
0x92: {  	_ =	swait.ge [sflag:s12], $0x1400  }
0x93: {  	[sflag:s12] =	ssyncset.done $0x0  }
0x94: {  	[sflag:s12] =	ssyncadd.s32 $0xFFFFEC00  }
0x95: {  	_ =	swait.ge [sflag:s28], $0x1400  }
0x96: {  	[sflag:s28] =	ssyncset.done $0x0  }
0x97: {  	[sflag:s28] =	ssyncadd.s32 $0xFFFFEC00  }
0x98: {  	[spmem:s2] =	stream.indirect.scatter.add.f32 [tilespmem:s22], [sflag:$0x6], $0x40, s0, s14, $0xb8;
	[tilespmem:$0x15220] =	vst v63  }
0x99: {  	_ =	swait.ge [sflag:s12], $0x1400  }
0x9a: {  	s13 =	sadd.s32 $0x1, s13;
	[sflag:s12] =	ssyncset.done $0x0  }
0x9b: {  	p0 =	sne.s32 s13, s9;
	[sflag:s12] =	ssyncadd.s32 $0xFFFFEC00  }
.Ltmp1:
0x9c: {  	[bflag:$0x0] =	sbarrier.arrive $0xFFFF;
	(pc) =	sbr.rel @p0 .LBB2_1-.Ltmp1, $4  }
0x9d: {  	[hbm:s10], [sflag:s6] =	dma.local [spmem:s11], $0x1400  }
0x9e: {  	_ =	swait.ge [sflag:s12], $0x1400  }
0x9f: {  	[sflag:s12] =	ssyncset.done $0x0  }
0xa0: {  	[sflag:s12] =	ssyncadd.s32 $0xFFFFEC00  }
0xa1: {  	_ =	sfence.sel $0x180000  }
0xa2: {  	[bflag:$0x0] =	sbarrier.arrive $0xFFFF  }
0xa3: {  	_ =	strace $0x9000004D  }
0xa4: {  	s0 =	stileid.u32;
	[bflag:$0x2] =	sbarrier.arrive $0xFFFF  }
0xa5: {  	p0 =	sne.s32 s0, $0x0;
	s0 =	rddreg [dreg:$0x3]  }
0xa6: {  	s0 =	sadd.s32 @!p0 $0x100000, s0  }
0xa7: {  	[sflag:s0] =	ssyncadd.tile.s32 @!p0 $0x1;
	_ =	shalt  }
.Lfunc_end2:
_tile_overlayer_lowered:
.L_overlay_start_2:
0xa8: {  	(tag) =	ssettag $0x2  }
0xa9: {  	s0 =	rddreg [dreg:$0x0];
	s2 =	stileid.u32  }
0xaa: {  	s1 =	rddreg [dreg:$0x1];
	p0 =	sne.s32 s2, $0x0  }
0xab: {  	s3 =	rddreg [dreg:$0x2];
	[bflag:$0x3] =	sbarrier.arrive $0xFFFF;
	s2 =	simm.s32 @!p0 $0x1C06  }
0xac: {  	[timem:s3], [sflag:s2] =	dma.local @!p0 [hbm:s0], s1  }
0xad: {  	s0 =	simm.s32 @!p0 $0x6  }
0xae: {  	_ =	swait.ge @!p0 [sflag:s0], s1  }
0xaf: {  	s1 =	ssub.s32 @!p0 $0x0, s1;
	[sflag:s0] =	ssyncset.done @!p0 $0x0  }
0xb0: {  	[sflag:s0] =	ssyncadd.s32 @!p0 s1  }
0xb1: {  	[bflag:$0x3] =	sbarrier.arrive $0xFFFF  }
0xb2: {  	_ =	shalt  }

// kernel: kernel.8.cloned.1.call-start
scs
__scs_entry_jumppad:
0x0: {  	(pc) =	sbr.rel $0x88, $3  }
0x1: {  	(tag) =	ssettag $0x0;
	lr =	simm.s32 $0x1  }
0x2: {  	[smem:$0x3F9B] =	sst lr;
	_ =	strace $0xD0000000  }
0x3: {  	_ = 	snop  }
0x4: {  	_ = 	snop  }
0x5: {  	_ = 	snop  }
0x6: {  	_ = 	snop  }
0x7: {  	_ = 	snop  }
__scs_overlays_trampoline_lowered:
0x8: {  	[smem:$0x3FAA] =	sst s0  }
0x9: {  	[smem:$0x3FAB] =	sst s1  }
0xa: {  	[smem:$0x3FAC] =	sst s2  }
0xb: {  	[smem:$0x3FAD] =	sst s3  }
0xc: {  	[smem:$0x3FAE] =	sst s4  }
0xd: {  	[smem:$0x3FAF] =	sst s5  }
0xe: {  	[smem:$0x3FB0] =	sst s6  }
0xf: {  	[smem:$0x3FB1] =	sst s7  }
0x10: {  	[smem:$0x3FB2] =	sst s8  }
0x11: {  	[smem:$0x3FB3] =	sst s9;
	s0 =	simm.s32 @!p0 $0x0  }
0x12: {  	s1 =	sld [smem:$0x3F99];
	s0 =	simm.s32 @p0 $0x1  }
0x13: {  	[smem:$0x3FB4] =	sst s0;
	s0 =	simm.s32 @!p1 $0x0  }
0x14: {  	s2 =	sld [smem:$0x3F98];
	s0 =	simm.s32 @p1 $0x1  }
0x15: {  	[smem:$0x3FB5] =	sst s0;
	s0 =	simm.s32 @!p2 $0x0  }
0x16: {  	s3 =	sld [smem:$0x3FDB];
	s0 =	simm.s32 @p2 $0x1  }
0x17: {  	s4 =	simm.s32 $0x1BF5;
	[smem:$0x3FB7] =	sst s0  }
0x18: {  	s0 =	sld [smem:$0x3F9A];
	_ =	swait.ge [sflag:s4], $0x0  }
0x19: {  	s7 =	sld [smem:$0x3F9B]  }
0x1a: {  	s8 =	sadd.s32 $0xFFFFE003, lr  }
0x1b: {  	s9 =	sadd.s32 $0xFFFFFEF7, lr;
	s5 =	simm.s32 $0xFFFFFFFF;
	p2 =	slt.u32 s8, $0xFFFFF086  }
0x1c: {  	p1 =	slt.u32 s9, $0xF7A;
	s5 =	simm.s32 @!p2 $0x0  }
0x1d: {  	s5 =	simm.s32 @p1 $0x1;
	p0 =	seq.s32 s7, s2  }
0x1e: {  	s7 =	smul.u32 @!p0 $0xF7A, s2;
	p2 =	seq.s32 @!p0 s5, $0x0  }
0x1f: {  	s9 =	smul.u32 $0xF7A, s1;
	s8 =	simm.s32 @!p0 $0x1BF5;
	p2 =	por !p2, p0  }
0x20: {  	[sflag:s8] =	ssyncset.s32 @!p0 $0xFFFFF086;
	s6 =	sadd.s32 @!p0 s3, s7;
	s7 =	simm.s32 @!p0 $0x108  }
0x21: {  	s3 =	sadd.s32 s3, s9;
	s6 =	sadd.s32 @!p0 $0x88, s6;
	s7 =	simm.s32 @p2 $0x1082  }
0x22: {  	[simem:s7], [sflag:s8] =	dma.local @!p0 [hbm:s6], $0xF7A  }
0x23: {  	s9 =	sor.u32 $0xD0000000, s2;
	s6 =	simm.s32 $0x108;
	_ =	swait.ge @!p0 [sflag:s8], $0x0  }
0x24: {  	s3 =	sadd.s32 $0x88, s3;
	s6 =	simm.s32 @!p1 $0x1082;
	[sflag:s4] =	ssyncset.s32 $0xFFFFF086  }
0x25: {  	[simem:s6], [sflag:s4] =	dma.local [hbm:s3], $0xF7A  }
0x26: {  	[smem:$0x3F9B] =	sst s1;
	(tag) =	ssettag s2;
	_ =	strace s9  }
0x27: {  	s1 =	sld [smem:$0x3FAB]  }
0x28: {  	s2 =	sld [smem:$0x3FAC]  }
0x29: {  	s4 =	sld [smem:$0x3FAE]  }
0x2a: {  	p0 =	seq.s32 s5, $0x0;
	s5 =	sld [smem:$0x3FAF]  }
0x2b: {  	s6 =	sld [smem:$0x3FB0]  }
0x2c: {  	s7 =	sld [smem:$0x3FB1]  }
0x2d: {  	s3 =	simm.s32 $0x108;
	s8 =	sld [smem:$0x3FB2]  }
0x2e: {  	s3 =	simm.s32 @!p0 $0x1082;
	s9 =	sld [smem:$0x3FB3]  }
0x2f: {  	lr =	sadd.s32 s0, s3;
	s0 =	sld [smem:$0x3FAA]  }
0x30: {  	s3 =	sld [smem:$0x3FAD]  }
0x31: {  	[smem:$0x3FB6] =	sst s10  }
0x32: {  	s10 =	sld [smem:$0x3FB4];
	_ =	sdelay $0x3  }
0x33: {  	p0 =	seq.s32 s10, $0x1;
	s10 =	sld [smem:$0x3FB6];
	_ =	sdelay $0x3  }
0x34: {  	[smem:$0x3FB6] =	sst s10  }
0x35: {  	s10 =	sld [smem:$0x3FB5];
	_ =	sdelay $0x3  }
0x36: {  	p1 =	seq.s32 s10, $0x1;
	s10 =	sld [smem:$0x3FB6];
	_ =	sdelay $0x3  }
0x37: {  	[smem:$0x3FB6] =	sst s10  }
0x38: {  	s10 =	sld [smem:$0x3FB7]  }
0x39: {  	_ = 	snop;
	(pc) =	sbr.ind lr, $3  }
0x3a: {  	_ = 	snop  }
0x3b: {  	_ = 	snop  }
0x3c: {  	p2 =	seq.s32 s10, $0x1;
	s10 =	sld [smem:$0x3FB6]  }
0x3d: {  	_ =	shalt  }
0x3e: {  	_ =	shalt  }
0x3f: {  	_ =	shalt  }
0x40: {  	_ =	shalt  }
0x41: {  	_ =	shalt  }
0x42: {  	_ =	shalt  }
0x43: {  	_ =	shalt  }
0x44: {  	_ =	shalt  }
0x45: {  	_ =	shalt  }
0x46: {  	_ =	shalt  }
0x47: {  	_ =	shalt  }
0x48: {  	_ =	shalt  }
0x49: {  	_ =	shalt  }
0x4a: {  	_ =	shalt  }
0x4b: {  	_ =	shalt  }
0x4c: {  	_ =	shalt  }
0x4d: {  	_ =	shalt  }
0x4e: {  	_ =	shalt  }
0x4f: {  	_ =	shalt  }
0x50: {  	_ =	shalt  }
0x51: {  	_ =	shalt  }
0x52: {  	_ =	shalt  }
0x53: {  	_ =	shalt  }
0x54: {  	_ =	shalt  }
0x55: {  	_ =	shalt  }
0x56: {  	_ =	shalt  }
0x57: {  	_ =	shalt  }
0x58: {  	_ =	shalt  }
0x59: {  	_ =	shalt  }
0x5a: {  	_ =	shalt  }
0x5b: {  	_ =	shalt  }
0x5c: {  	_ =	shalt  }
0x5d: {  	_ =	shalt  }
0x5e: {  	_ =	shalt  }
0x5f: {  	_ =	shalt  }
0x60: {  	_ =	shalt  }
0x61: {  	_ =	shalt  }
0x62: {  	_ =	shalt  }
0x63: {  	_ =	shalt  }
0x64: {  	_ =	shalt  }
0x65: {  	_ =	shalt  }
0x66: {  	_ =	shalt  }
0x67: {  	_ =	shalt  }
0x68: {  	_ =	shalt  }
0x69: {  	_ =	shalt  }
0x6a: {  	_ =	shalt  }
0x6b: {  	_ =	shalt  }
0x6c: {  	_ =	shalt  }
0x6d: {  	_ =	shalt  }
0x6e: {  	_ =	shalt  }
0x6f: {  	_ =	shalt  }
0x70: {  	_ =	shalt  }
0x71: {  	_ =	shalt  }
0x72: {  	_ =	shalt  }
0x73: {  	_ =	shalt  }
0x74: {  	_ =	shalt  }
0x75: {  	_ =	shalt  }
0x76: {  	_ =	shalt  }
0x77: {  	_ =	shalt  }
0x78: {  	_ =	shalt  }
0x79: {  	_ =	shalt  }
0x7a: {  	_ =	shalt  }
0x7b: {  	_ =	shalt  }
0x7c: {  	_ =	shalt  }
0x7d: {  	_ =	shalt  }
0x7e: {  	_ =	shalt  }
0x7f: {  	_ =	shalt  }
0x80: {  	_ =	shalt  }
0x81: {  	_ =	shalt  }
0x82: {  	_ =	shalt  }
0x83: {  	_ =	shalt  }
0x84: {  	_ =	shalt  }
0x85: {  	_ =	shalt  }
0x86: {  	_ =	shalt  }
0x87: {  	_ =	shalt  }
.Lfunc_end0:
.L_simem_size_0:
called_computation_lowered:
.L_overlay_start_0:
0x88: {  	s2 =	sld [smem:$0x3FD9]  }
0x89: {  	s3 =	sld [smem:$0x3FFE];
	_ =	sdelay $0x1  }
0x8a: {  	s1 =	srdreg.scid  }
0x8b: {  	s0 =	sand.u32 $0x1, s1  }
0x8c: {  	s17 =	sshll.u32 s0, $0xA;
	s2 =	sadd.s32 s3, s2  }
0x8d: {  	s2 =	sadd.s32 s2, s17  }
0x8e: {  	[smem:$0x3FC2] =	sst s2  }
0x8f: {  	_ = 	snop  }
0x90: {  	s2 =	sld [smem:$0x3FD0];
	(tm) =	ssettm $0x1  }
0x91: {  	s18 =	sld [smem:$0x3FFB];
	_ =	sdelay $0x3  }
0x92: {  	_ =	strace s18  }
0x93: {  	s3 =	sld [smem:$0x3FFC];
	_ =	sdelay $0x3  }
0x94: {  	_ =	strace s3  }
0x95: {  	s3 =	sld [smem:$0x3FFD];
	_ =	sdelay $0x3  }
0x96: {  	_ =	strace s3  }
0x97: {  	_ =	strace $0x8FFFFFFF  }
0x98: {  	s19 =	sld [smem:$0x3FDB];
	_ =	sdelay $0x1  }
0x99: {  	s4 =	simm.s32 $_scs_section_size  }
0x9a: {  	s5 =	simm.s32 $_size__tile_overlayer_lowered;
	s6 =	simm.s32 $_tile_overlayer_lowered  }
0x9b: {  	s22 =	simm.s32 $0x1BFF;
	s21 =	sshll.u32 s6, $0x1;
	s3 =	sadd.s32 s4, s19  }
0x9c: {  	s7 =	simm.s32 $0x0;
	s20 =	sshll.u32 s5, $0x1;
	s5 =	sadd.s32 s21, s3  }
0x9d: {  	[timem:s7], [sflag:s22] =	dma.local [hbm:s5], s20  }
0x9e: {  	_ =	swait.ge [sflag:s22], s20  }
0x9f: {  	s4 =	ssub.s32 $0x0, s20;
	[sflag:s22] =	ssyncset.done $0x0  }
0xa0: {  	[sflag:s22] =	ssyncadd.s32 s4;
	_ =	sdelay $0x1  }
0xa1: {  	s23 =	simm.s32 $0x1B8B  }
0xa2: {  	_ =	swait.ge [sflag:s23], $0x1  }
0xa3: {  	[sflag:s23] =	ssyncset.done $0x0  }
0xa4: {  	s25 =	simm.s32 $0x1B8E;
	s24 =	sld [smem:$0x3FFE];
	[sflag:s23] =	ssyncadd.s32 $0xFFFFFFFF  }
0xa5: {  	s26 =	simm.s32 $execute0_lowered;
	[smem:$0x3FD2] =	sst s25  }
0xa6: {  	s5 =	sshll.u32 s26, $0x1;
	_ =	strace $0x80000046;
	[dreg:$0x1] =	wrdreg $0xFFFFFFFF  }
0xa7: {  	s28 =	simm.s32 $_size_execute0_lowered;
	s3 =	sadd.s32 s3, s5;
	[dreg:$0x0] =	wrdreg $0x0  }
0xa8: {  	s5 =	sshll.u32 s28, $0x1;
	[dreg:$0x2] =	wrdreg s3  }
0xa9: {  	[dreg:$0x3] =	wrdreg s5  }
0xaa: {  	[dreg:$0x4] =	wrdreg $0xC0  }
0xab: {  	_ =	task [dreg:s7], $0x5FFFF  }
0xac: {  	[dreg:$0x1] =	wrdreg $0xFFFFFFFF  }
0xad: {  	[dreg:$0x0] =	wrdreg $0x60  }
0xae: {  	[dreg:$0x2] =	wrdreg s24  }
0xaf: {  	[dreg:$0x3] =	wrdreg s2  }
0xb0: {  	[dreg:$0x4] =	wrdreg $0x29900  }
0xb1: {  	[dreg:$0x5] =	wrdreg $0x9  }
0xb2: {  	_ =	task.clear_ibuf [dreg:s7], $0x6FFFF;
	_ =	strace $0x90000046  }
0xb3: {  	s29 =	simm.s32 $0x9;
	_ =	strace $0x80000048  }
0xb4: {  	_ =	swait.ge [sflag:s29], $0x1  }
0xb5: {  	[sflag:s29] =	ssyncadd.s32 $0xFFFFFFFF  }
0xb6: {  	_ =	strace $0x90000048  }
0xb7: {  	_ =	sfence  }
0xb8: {  	s30 =	sld [smem:$0x0];
	_ =	sdelay $0x2  }
0xb9: {  	s31 =	sshll.u32 s1, $0xD;
	s1 =	sshrl.u32 s1, $0x2  }
0xba: {  	s3 =	sand.u32 $0x4000, s31;
	s1 =	sadd.s32 s1, s30  }
0xbb: {  	s0 =	sor.u32 s3, s0;
	s1 =	sshll.u32 s1, $0x11  }
0xbc: {  	s0 =	sor.u32 s1, s0  }
0xbd: {  	s0 =	sadd.s32 $0x8F2B, s0  }
0xbe: {  	[sflag:s0] =	ssyncadd.remote.s32 $0x1  }
0xbf: {  	_ =	sfence.sel $0xFFFF  }
0xc0: {  	[dreg:$0x0] =	wrdreg $0xFFFFFFFF;
	(pc) =	sbr.abs _section_cstart, $3  }
0xc1: {  	[dreg:$0x1] =	wrdreg $0xFFFFFFFF  }
0xc2: {  	_ =	task.clear_ibuf [dreg:s7], $0x2FFFF;
	_ =	strace $0x9FFFFFFF  }
0xc3: {  	(tm) =	ssettm $0x7FFFFFFF  }
tec
execute0_lowered:
.L_overlay_start_1:
0x0: {  	(tag) =	ssettag $0x1  }
0x1: {  	s6 =	rddreg [dreg:$0x0]  }
0x2: {  	s1 =	srdreg.scid;
	s9 =	rddreg [dreg:$0x1]  }
0x3: {  	s0 =	stileid.u32;
	s2 =	rddreg [dreg:$0x2]  }
0x4: {  	s3 =	simm.s32 $0x0;
	s8 =	sand.u32 $0x1, s1;
	s1 =	rddreg [dreg:$0x3]  }
0x5: {  	s14 =	simm.s32 $0x0;
	s29 =	sshll.u32 s0, $0x1;
	[smem:$0x7FF] =	sst s3  }
0x6: {  	s11 =	smul.u32 $0x1400, s0;
	s5 =	sadd.s32 $0x16600, s6;
	s12 =	sadd.s32 $0x16800, s6  }
0x7: {  	s31 =	sshll.u32 s0, $0x6;
	s4 =	sor.u32 s8, s29;
	_ =	strace $0x80000047  }
0x8: {  	s10 =	ssub.s32 $0x2, s8;
	p0 =	seq.s32 s8, $0x1;
	s4 =	smul.u32 $0x4E2, s4  }
0x9: {  	s30 =	sshrl.u32 s10, $0x1;
	s13 =	sadd.s32 s11, s2;
	s11 =	sshrl.u32 s11, $0x3  }
0xa: {  	s9 =	smov.u32 @p0 s12;
	s12 =	simm.s32 $0x2710;
	s10 =	ssub.s32 s10, s30  }
0xb: {  	s9 =	sadd.s32 s9, s11;
	s11 =	simm.s32 $0x1;
	s7 =	sadd.s32 s4, s6  }
0xc: {  	s4 =	sadd.s32 $0x16200, s6;
	s6 =	sor.u32 $0x1C01, s31;
	s8 =	smax.u32 s10, $0x1  }
0xd: {  	s10 =	sshrl.u32 s13, $0x3;
	s13 =	simm.s32 $0x50;
	s7 =	sadd.s32 $0xC400, s7  }
.LBB2_1:
0xe: {  	[spmem:s10], [sflag:s6] =	dma.local [hbm:s4], $0x280  }
0xf: {  	_ =	swait.ge [sflag:s11], $0x280  }
0x10: {  	[sflag:s11] =	ssyncset.done $0x0  }
0x11: {  	[sflag:s11] =	ssyncadd.s32 $0xFFFFFD80  }
0x12: {  	[tilespmem:s3], [sflag:$0x1] =	stream.linear.gather [hbm4b:s7+s3], $0x2710, $0x38;
	[tilespmem:$0x3D90] =	vst v63  }
0x13: {  	_ =	swait.ge [sflag:s11], $0x2710  }
0x14: {  	[sflag:s11] =	ssyncset.done $0x0  }
0x15: {  	[sflag:s11] =	ssyncadd.s32 $0xFFFFD8F0  }
0x16: {  	[tilespmem:s12], [sflag:$0x1] =	stream.linear.gather [hbm4b:s5+s3], $0x280, $0x38;
	[tilespmem:$0x3D90] =	vst v63  }
0x17: {  	_ =	swait.ge [sflag:s11], $0x280  }
0x18: {  	[sflag:s11] =	ssyncset.done $0x0  }
0x19: {  	[sflag:s11] =	ssyncadd.s32 $0xFFFFFD80  }
0x1a: {  	s15 =	simm.s32 $0x0;
	[bflag:$0x0] =	sbarrier.arrive $0xFFFF  }
0x1b: {  	[spmem:s2] =	stream.indirect.scatter.add.f32 [tilespmem:s12], [sflag:$0x1], $0x8, s15, s13, $0xb8;
	[tilespmem:$0x3D90] =	vst v63  }
0x1c: {  	_ =	swait.ge [sflag:s11], $0x280  }
0x1d: {  	s15 =	simm.s32 $0x140;
	[sflag:s11] =	ssyncset.done $0x0  }
.LBB2_2:
0x1e: {  	s16 =	sshra.s32 s15, $0x2;
	[sflag:s11] =	ssyncadd.s32 $0xFFFFFD80;
	p0 =	sne.s32 s15, $0x9B00  }
0x1f: {  	[spmem:s2] =	stream.indirect.scatter.add.f32 [tilespmem:s12], [sflag:$0x1], $0x8, s16, s13, $0xb8;
	[tilespmem:$0x3D90] =	vst v63  }
.Ltmp0:
0x20: {  	_ = 	snop;
	(pc) =	sbr.rel @p0 .LBB2_2-.Ltmp0, $4  }
0x21: {  	_ = 	snop  }
0x22: {  	s15 =	sadd.s32 $0x140, s15  }
0x23: {  	_ =	swait.ge [sflag:s11], $0x280  }
0x24: {  	[sflag:s11] =	ssyncset.done $0x0  }
0x25: {  	s14 =	sadd.s32 $0x1, s14  }
0x26: {  	[sflag:s11] =	ssyncadd.s32 $0xFFFFFD80;
	p0 =	sne.s32 s14, s8  }
.Ltmp1:
0x27: {  	[bflag:$0x0] =	sbarrier.arrive $0xFFFF;
	(pc) =	sbr.rel @p0 .LBB2_1-.Ltmp1, $4  }
0x28: {  	[hbm:s9], [sflag:s6] =	dma.local [spmem:s10], $0x280  }
0x29: {  	_ =	swait.ge [sflag:s11], $0x280  }
0x2a: {  	[sflag:s11] =	ssyncset.done $0x0  }
0x2b: {  	[sflag:s11] =	ssyncadd.s32 $0xFFFFFD80  }
0x2c: {  	_ =	sfence.sel $0x180000  }
0x2d: {  	[bflag:$0x0] =	sbarrier.arrive $0xFFFF  }
0x2e: {  	p0 =	sne.s32 s0, $0x0;
	_ =	strace $0x90000047  }
0x2f: {  	s0 =	sadd.s32 @!p0 $0x100000, s1;
	[bflag:$0x2] =	sbarrier.arrive $0xFFFF  }
0x30: {  	[sflag:s0] =	ssyncadd.tile.s32 @!p0 $0x1;
	_ =	shalt  }
.Lfunc_end2:
_tile_overlayer_lowered:
.L_overlay_start_2:
0x31: {  	(tag) =	ssettag $0x2  }
0x32: {  	s0 =	rddreg [dreg:$0x0];
	s2 =	stileid.u32  }
0x33: {  	s1 =	rddreg [dreg:$0x1];
	p0 =	sne.s32 s2, $0x0  }
0x34: {  	s3 =	rddreg [dreg:$0x2];
	[bflag:$0x3] =	sbarrier.arrive $0xFFFF;
	s2 =	simm.s32 @!p0 $0x1C01  }
0x35: {  	[timem:s3], [sflag:s2] =	dma.local @!p0 [hbm:s0], s1  }
0x36: {  	s0 =	simm.s32 @!p0 $0x1  }
0x37: {  	_ =	swait.ge @!p0 [sflag:s0], s1  }
0x38: {  	s1 =	ssub.s32 @!p0 $0x0, s1;
	[sflag:s0] =	ssyncset.done @!p0 $0x0  }
0x39: {  	[sflag:s0] =	ssyncadd.s32 @!p0 s1  }
0x3a: {  	[bflag:$0x3] =	sbarrier.arrive $0xFFFF  }
0x3b: {  	_ =	shalt  }

</sc_bundles>
